<compile_context>
chip_gen: v7x
topology: tpu7x:2x2x1
jax: 0.10.2.dev20260603
libtpu: 0.0.44.dev20260713+nightly
codegen_flags: <defaults>
</compile_context>

<pallas_src>
import functools

import jax
import jax.numpy as jnp
from jax import lax
from jax.experimental import pallas as pl
from jax.experimental.pallas import tpu as pltpu
from jax.experimental.pallas import tpu_sc as plsc

_LANES = 16


@functools.partial(jax.jit, static_argnames=("n_per_w", "num_cores"))
def _clip_sc(flat_ids, vocab_vec, n_per_w, num_cores):
    mesh = plsc.VectorSubcoreMesh(
        core_axis_name="c", subcore_axis_name="s", num_cores=num_cores
    )

    @functools.partial(
        pl.kernel,
        mesh=mesh,
        out_type=jax.ShapeDtypeStruct(flat_ids.shape, jnp.int32),
        scratch_types=[
            pltpu.VMEM((n_per_w,), jnp.int32),
            pltpu.VMEM((_LANES,), jnp.int32),
            pltpu.SemaphoreType.DMA,
        ],
    )
    def body(ids_hbm, vocab_hbm, out_hbm, buf, vbuf, sem):
        wid = lax.axis_index("s") * num_cores + lax.axis_index("c")
        base = wid * n_per_w
        ids_dma = pltpu.async_copy(ids_hbm.at[pl.ds(base, n_per_w)], buf, sem)
        pltpu.sync_copy(vocab_hbm, vbuf)
        vmax = vbuf[...]
        zero = jnp.zeros((_LANES,), jnp.int32)
        ids_dma.wait()
        for i in range(n_per_w // _LANES):
            sl = pl.ds(i * _LANES, _LANES)
            buf[sl] = jnp.minimum(jnp.maximum(buf[sl], zero), vmax)
        pltpu.sync_copy(buf, out_hbm.at[pl.ds(base, n_per_w)])

    return body(flat_ids, vocab_vec)


def kernel(input_ids, image_features, vocab_size):
    del image_features
    shape = input_ids.shape
    n = input_ids.size
    num_cores = 1
    info = plsc.get_sparse_core_info()
    num_workers = num_cores * info.num_subcores
    flat = input_ids.reshape(n)
    vocab_vec = jnp.full((_LANES,), vocab_size, dtype=jnp.int32)
    out = _clip_sc(flat, vocab_vec, n // num_workers, num_cores)
    empty = jnp.zeros((0,), jnp.int32)
    return (out.reshape(shape), empty, empty)

# --- scband reference (transcript-rebuilt; emitter-appended) ---
"""Pipeline reference for scband-model-11879879541598 (READ-ONLY COPY).

The authoritative reference and input builder live on the scoring server;
editing this copy changes nothing except your own understanding.
"""

import jax, jax.numpy as jnp
import numpy as np


def setup_inputs(seed: int = 0) -> dict:
    key = jax.random.key(seed)
    k1, k2 = jax.random.split(key)
    input_ids = jax.random.randint(k1, (4, 8192), 0, 32000, dtype=jnp.int32)
    image_features = jax.random.normal(k2, (4, 576, 1024), dtype=jnp.float32)
    vocab_size = 32000
    return {"input_ids": input_ids, "image_features": image_features, "vocab_size": vocab_size}


def reference(input_ids, image_features, vocab_size):
    if image_features.size:
        input_shape = input_ids.shape
        ids = input_ids.reshape(-1, input_shape[-1])
        condition = (ids < 0) & (ids > -int(1000000000.0))
        positions = jnp.where(condition, size=0)
        ids = jnp.clip(ids, 0, vocab_size)
        return (ids,) + tuple(positions)
    empty = jnp.where(jnp.zeros((1, 1), dtype=bool))
    return (input_ids,) + tuple(empty)

if __name__ == "__main__":
    import jax
    _d = setup_inputs()
    print(jax.jit(kernel)(*tuple(_d.values())))

</pallas_src>

<mosaic_0001>
#map = affine_map<(d0, d1) -> (0)>
module attributes {stable_mosaic.version = 14 : i64} {
  func.func @body(%arg0: i32, %arg1: i32, %arg2: memref<32768xi32, #tpu.memory_space<hbm>>, %arg3: memref<16xi32, #tpu.memory_space<hbm>>, %arg4: memref<32768xi32, #tpu.memory_space<hbm>>, %arg5: memref<2048xi32, #tpu.memory_space<vmem>>, %arg6: memref<16xi32, #tpu.memory_space<vmem>>, %arg7: memref<!tpu.dma_semaphore, #tpu.memory_space<semaphore_mem>>) attributes {dimension_semantics = [#tpu.dimension_semantics<core_parallel>, #tpu.dimension_semantics<subcore_parallel>], iteration_bounds = array<i64: 1, 16>, scalar_prefetch = 0 : i64, scratch_operands = 3 : i64, tpu.core_type = #tpu.core_type<sc_vector_subcore>, window_params = [{transform_indices = #map}, {transform_indices = #map}, {transform_indices = #map}]} {
    %mul3A = arith.constant 1 : i32
    %mul3A_0 = arith.muli %arg1, %mul3A : i32
    %add3A = arith.addi %mul3A_0, %arg0 : i32
    %mul3A_1 = arith.constant 2048 : i32
    %mul3A_2 = arith.muli %add3A, %mul3A_1 : i32
    %dma_start3A = tpu.memref_slice %arg2[%mul3A_2] : memref<32768xi32, #tpu.memory_space<hbm>> -> memref<2048xi32, #tpu.memory_space<hbm>>
    %dma_start3A_3 = tpu.memref_slice %arg2[%mul3A_2] : memref<32768xi32, #tpu.memory_space<hbm>> -> memref<2048xi32, #tpu.memory_space<hbm>>
    tpu.enqueue_dma source(%dma_start3A_3 : memref<2048xi32, #tpu.memory_space<hbm>>) target(%arg5 : memref<2048xi32, #tpu.memory_space<vmem>>) target_semaphore(%arg7 : memref<!tpu.dma_semaphore, #tpu.memory_space<semaphore_mem>>)
    "tpu.region"() ({
      %run_scoped3A = tpu.sem_alloc : memref<!tpu.dma_semaphore, #tpu.memory_space<semaphore_mem>>
      tpu.enqueue_dma source(%arg3 : memref<16xi32, #tpu.memory_space<hbm>>) target(%arg6 : memref<16xi32, #tpu.memory_space<vmem>>) target_semaphore(%run_scoped3A : memref<!tpu.dma_semaphore, #tpu.memory_space<semaphore_mem>>)
      tpu.wait_dma2 semaphore(%run_scoped3A : memref<!tpu.dma_semaphore, #tpu.memory_space<semaphore_mem>>) src(%arg3 : memref<16xi32, #tpu.memory_space<hbm>>) dst(%arg6 : memref<16xi32, #tpu.memory_space<vmem>>)
      tpu.yield
    }) : () -> ()
    %get3A = arith.constant 0 : index
    %get3A_4 = tpu.vector_load %arg6[%get3A] {strides = array<i32>} : memref<16xi32, #tpu.memory_space<vmem>>, vector<16xi32>,
    %get3A_5 = vector.shape_cast %get3A_4 : vector<16xi32> to vector<16xi32>
    %broadcast_in_dim3A = arith.constant 0 : i32
    %broadcast_in_dim3A_6 = vector.broadcast %broadcast_in_dim3A : i32 to vector<16xi32>
    %dma_wait3A = tpu.memref_slice %arg2[%mul3A_2] : memref<32768xi32, #tpu.memory_space<hbm>> -> memref<2048xi32, #tpu.memory_space<hbm>>
    %dma_wait3A_7 = tpu.memref_slice %arg2[%mul3A_2] : memref<32768xi32, #tpu.memory_space<hbm>> -> memref<2048xi32, #tpu.memory_space<hbm>>
    tpu.wait_dma2 semaphore(%arg7 : memref<!tpu.dma_semaphore, #tpu.memory_space<semaphore_mem>>) src(%dma_wait3A_7 : memref<2048xi32, #tpu.memory_space<hbm>>) dst(%arg5 : memref<2048xi32, #tpu.memory_space<vmem>>)
    %get3A_8 = arith.constant 0 : index
    %get3A_9 = tpu.vector_load %arg5[%get3A_8] {strides = array<i32>} : memref<2048xi32, #tpu.memory_space<vmem>>, vector<16xi32>,
    %get3A_10 = vector.shape_cast %get3A_9 : vector<16xi32> to vector<16xi32>
    %max3A = arith.maxsi %get3A_10, %broadcast_in_dim3A_6 : vector<16xi32>
    %min3A = arith.minsi %max3A, %get3A_5 : vector<16xi32>
    %swap3A = arith.constant 0 : index
    %swap3A_11 = tpu.vector_load %arg5[%swap3A] {strides = array<i32>} : memref<2048xi32, #tpu.memory_space<vmem>>, vector<16xi32>,
    %swap3A_12 = vector.shape_cast %swap3A_11 : vector<16xi32> to vector<16xi32>
    %swap3A_13 = vector.shape_cast %min3A : vector<16xi32> to vector<16xi32>
    tpu.vector_store %arg5[%swap3A], %swap3A_13 {strides = array<i32>} : memref<2048xi32, #tpu.memory_space<vmem>>, vector<16xi32>,
    %get3A_14 = arith.constant 16 : index
    %get3A_15 = tpu.vector_load %arg5[%get3A_14] {strides = array<i32>} : memref<2048xi32, #tpu.memory_space<vmem>>, vector<16xi32>,
    %get3A_16 = vector.shape_cast %get3A_15 : vector<16xi32> to vector<16xi32>
    %max3A_17 = arith.maxsi %get3A_16, %broadcast_in_dim3A_6 : vector<16xi32>
    %min3A_18 = arith.minsi %max3A_17, %get3A_5 : vector<16xi32>
    %swap3A_19 = arith.constant 16 : index
    %swap3A_20 = tpu.vector_load %arg5[%swap3A_19] {strides = array<i32>} : memref<2048xi32, #tpu.memory_space<vmem>>, vector<16xi32>,
    %swap3A_21 = vector.shape_cast %swap3A_20 : vector<16xi32> to vector<16xi32>
    %swap3A_22 = vector.shape_cast %min3A_18 : vector<16xi32> to vector<16xi32>
    tpu.vector_store %arg5[%swap3A_19], %swap3A_22 {strides = array<i32>} : memref<2048xi32, #tpu.memory_space<vmem>>, vector<16xi32>,
    %get3A_23 = arith.constant 32 : index
    %get3A_24 = tpu.vector_load %arg5[%get3A_23] {strides = array<i32>} : memref<2048xi32, #tpu.memory_space<vmem>>, vector<16xi32>,
    %get3A_25 = vector.shape_cast %get3A_24 : vector<16xi32> to vector<16xi32>
    %max3A_26 = arith.maxsi %get3A_25, %broadcast_in_dim3A_6 : vector<16xi32>
    %min3A_27 = arith.minsi %max3A_26, %get3A_5 : vector<16xi32>
    %swap3A_28 = arith.constant 32 : index
    %swap3A_29 = tpu.vector_load %arg5[%swap3A_28] {strides = array<i32>} : memref<2048xi32, #tpu.memory_space<vmem>>, vector<16xi32>,
    %swap3A_30 = vector.shape_cast %swap3A_29 : vector<16xi32> to vector<16xi32>
    %swap3A_31 = vector.shape_cast %min3A_27 : vector<16xi32> to vector<16xi32>
    tpu.vector_store %arg5[%swap3A_28], %swap3A_31 {strides = array<i32>} : memref<2048xi32, #tpu.memory_space<vmem>>, vector<16xi32>,
    %get3A_32 = arith.constant 48 : index
    %get3A_33 = tpu.vector_load %arg5[%get3A_32] {strides = array<i32>} : memref<2048xi32, #tpu.memory_space<vmem>>, vector<16xi32>,
    %get3A_34 = vector.shape_cast %get3A_33 : vector<16xi32> to vector<16xi32>
    %max3A_35 = arith.maxsi %get3A_34, %broadcast_in_dim3A_6 : vector<16xi32>
    %min3A_36 = arith.minsi %max3A_35, %get3A_5 : vector<16xi32>
    %swap3A_37 = arith.constant 48 : index
    %swap3A_38 = tpu.vector_load %arg5[%swap3A_37] {strides = array<i32>} : memref<2048xi32, #tpu.memory_space<vmem>>, vector<16xi32>,
    %swap3A_39 = vector.shape_cast %swap3A_38 : vector<16xi32> to vector<16xi32>
    %swap3A_40 = vector.shape_cast %min3A_36 : vector<16xi32> to vector<16xi32>
    tpu.vector_store %arg5[%swap3A_37], %swap3A_40 {strides = array<i32>} : memref<2048xi32, #tpu.memory_space<vmem>>, vector<16xi32>,
    %get3A_41 = arith.constant 64 : index
    %get3A_42 = tpu.vector_load %arg5[%get3A_41] {strides = array<i32>} : memref<2048xi32, #tpu.memory_space<vmem>>, vector<16xi32>,
    %get3A_43 = vector.shape_cast %get3A_42 : vector<16xi32> to vector<16xi32>
    %max3A_44 = arith.maxsi %get3A_43, %broadcast_in_dim3A_6 : vector<16xi32>
    %min3A_45 = arith.minsi %max3A_44, %get3A_5 : vector<16xi32>
    %swap3A_46 = arith.constant 64 : index
    %swap3A_47 = tpu.vector_load %arg5[%swap3A_46] {strides = array<i32>} : memref<2048xi32, #tpu.memory_space<vmem>>, vector<16xi32>,
    %swap3A_48 = vector.shape_cast %swap3A_47 : vector<16xi32> to vector<16xi32>
    %swap3A_49 = vector.shape_cast %min3A_45 : vector<16xi32> to vector<16xi32>
    tpu.vector_store %arg5[%swap3A_46], %swap3A_49 {strides = array<i32>} : memref<2048xi32, #tpu.memory_space<vmem>>, vector<16xi32>,
    %get3A_50 = arith.constant 80 : index
    %get3A_51 = tpu.vector_load %arg5[%get3A_50] {strides = array<i32>} : memref<2048xi32, #tpu.memory_space<vmem>>, vector<16xi32>,
    %get3A_52 = vector.shape_cast %get3A_51 : vector<16xi32> to vector<16xi32>
    %max3A_53 = arith.maxsi %get3A_52, %broadcast_in_dim3A_6 : vector<16xi32>
    %min3A_54 = arith.minsi %max3A_53, %get3A_5 : vector<16xi32>
    %swap3A_55 = arith.constant 80 : index
    %swap3A_56 = tpu.vector_load %arg5[%swap3A_55] {strides = array<i32>} : memref<2048xi32, #tpu.memory_space<vmem>>, vector<16xi32>,
    %swap3A_57 = vector.shape_cast %swap3A_56 : vector<16xi32> to vector<16xi32>
    %swap3A_58 = vector.shape_cast %min3A_54 : vector<16xi32> to vector<16xi32>
    tpu.vector_store %arg5[%swap3A_55], %swap3A_58 {strides = array<i32>} : memref<2048xi32, #tpu.memory_space<vmem>>, vector<16xi32>,
    %get3A_59 = arith.constant 96 : index
    %get3A_60 = tpu.vector_load %arg5[%get3A_59] {strides = array<i32>} : memref<2048xi32, #tpu.memory_space<vmem>>, vector<16xi32>,
    %get3A_61 = vector.shape_cast %get3A_60 : vector<16xi32> to vector<16xi32>
    %max3A_62 = arith.maxsi %get3A_61, %broadcast_in_dim3A_6 : vector<16xi32>
    %min3A_63 = arith.minsi %max3A_62, %get3A_5 : vector<16xi32>
    %swap3A_64 = arith.constant 96 : index
    %swap3A_65 = tpu.vector_load %arg5[%swap3A_64] {strides = array<i32>} : memref<2048xi32, #tpu.memory_space<vmem>>, vector<16xi32>,
    %swap3A_66 = vector.shape_cast %swap3A_65 : vector<16xi32> to vector<16xi32>
    %swap3A_67 = vector.shape_cast %min3A_63 : vector<16xi32> to vector<16xi32>
    tpu.vector_store %arg5[%swap3A_64], %swap3A_67 {strides = array<i32>} : memref<2048xi32, #tpu.memory_space<vmem>>, vector<16xi32>,
    %get3A_68 = arith.constant 112 : index
    %get3A_69 = tpu.vector_load %arg5[%get3A_68] {strides = array<i32>} : memref<2048xi32, #tpu.memory_space<vmem>>, vector<16xi32>,
    %get3A_70 = vector.shape_cast %get3A_69 : vector<16xi32> to vector<16xi32>
    %max3A_71 = arith.maxsi %get3A_70, %broadcast_in_dim3A_6 : vector<16xi32>
    %min3A_72 = arith.minsi %max3A_71, %get3A_5 : vector<16xi32>
    %swap3A_73 = arith.constant 112 : index
    %swap3A_74 = tpu.vector_load %arg5[%swap3A_73] {strides = array<i32>} : memref<2048xi32, #tpu.memory_space<vmem>>, vector<16xi32>,
    %swap3A_75 = vector.shape_cast %swap3A_74 : vector<16xi32> to vector<16xi32>
    %swap3A_76 = vector.shape_cast %min3A_72 : vector<16xi32> to vector<16xi32>
    tpu.vector_store %arg5[%swap3A_73], %swap3A_76 {strides = array<i32>} : memref<2048xi32, #tpu.memory_space<vmem>>, vector<16xi32>,
    %get3A_77 = arith.constant 128 : index
    %get3A_78 = tpu.vector_load %arg5[%get3A_77] {strides = array<i32>} : memref<2048xi32, #tpu.memory_space<vmem>>, vector<16xi32>,
    %get3A_79 = vector.shape_cast %get3A_78 : vector<16xi32> to vector<16xi32>
    %max3A_80 = arith.maxsi %get3A_79, %broadcast_in_dim3A_6 : vector<16xi32>
    %min3A_81 = arith.minsi %max3A_80, %get3A_5 : vector<16xi32>
    %swap3A_82 = arith.constant 128 : index
    %swap3A_83 = tpu.vector_load %arg5[%swap3A_82] {strides = array<i32>} : memref<2048xi32, #tpu.memory_space<vmem>>, vector<16xi32>,
    %swap3A_84 = vector.shape_cast %swap3A_83 : vector<16xi32> to vector<16xi32>
    %swap3A_85 = vector.shape_cast %min3A_81 : vector<16xi32> to vector<16xi32>
    tpu.vector_store %arg5[%swap3A_82], %swap3A_85 {strides = array<i32>} : memref<2048xi32, #tpu.memory_space<vmem>>, vector<16xi32>,
    %get3A_86 = arith.constant 144 : index
    %get3A_87 = tpu.vector_load %arg5[%get3A_86] {strides = array<i32>} : memref<2048xi32, #tpu.memory_space<vmem>>, vector<16xi32>,
    %get3A_88 = vector.shape_cast %get3A_87 : vector<16xi32> to vector<16xi32>
    %max3A_89 = arith.maxsi %get3A_88, %broadcast_in_dim3A_6 : vector<16xi32>
    %min3A_90 = arith.minsi %max3A_89, %get3A_5 : vector<16xi32>
    %swap3A_91 = arith.constant 144 : index
    %swap3A_92 = tpu.vector_load %arg5[%swap3A_91] {strides = array<i32>} : memref<2048xi32, #tpu.memory_space<vmem>>, vector<16xi32>,
    %swap3A_93 = vector.shape_cast %swap3A_92 : vector<16xi32> to vector<16xi32>
    %swap3A_94 = vector.shape_cast %min3A_90 : vector<16xi32> to vector<16xi32>
    tpu.vector_store %arg5[%swap3A_91], %swap3A_94 {strides = array<i32>} : memref<2048xi32, #tpu.memory_space<vmem>>, vector<16xi32>,
    %get3A_95 = arith.constant 160 : index
    %get3A_96 = tpu.vector_load %arg5[%get3A_95] {strides = array<i32>} : memref<2048xi32, #tpu.memory_space<vmem>>, vector<16xi32>,
    %get3A_97 = vector.shape_cast %get3A_96 : vector<16xi32> to vector<16xi32>
    %max3A_98 = arith.maxsi %get3A_97, %broadcast_in_dim3A_6 : vector<16xi32>
    %min3A_99 = arith.minsi %max3A_98, %get3A_5 : vector<16xi32>
    %swap3A_100 = arith.constant 160 : index
    %swap3A_101 = tpu.vector_load %arg5[%swap3A_100] {strides = array<i32>} : memref<2048xi32, #tpu.memory_space<vmem>>, vector<16xi32>,
    %swap3A_102 = vector.shape_cast %swap3A_101 : vector<16xi32> to vector<16xi32>
    %swap3A_103 = vector.shape_cast %min3A_99 : vector<16xi32> to vector<16xi32>
    tpu.vector_store %arg5[%swap3A_100], %swap3A_103 {strides = array<i32>} : memref<2048xi32, #tpu.memory_space<vmem>>, vector<16xi32>,
    %get3A_104 = arith.constant 176 : index
    %get3A_105 = tpu.vector_load %arg5[%get3A_104] {strides = array<i32>} : memref<2048xi32, #tpu.memory_space<vmem>>, vector<16xi32>,
    %get3A_106 = vector.shape_cast %get3A_105 : vector<16xi32> to vector<16xi32>
    %max3A_107 = arith.maxsi %get3A_106, %broadcast_in_dim3A_6 : vector<16xi32>
    %min3A_108 = arith.minsi %max3A_107, %get3A_5 : vector<16xi32>
    %swap3A_109 = arith.constant 176 : index
    %swap3A_110 = tpu.vector_load %arg5[%swap3A_109] {strides = array<i32>} : memref<2048xi32, #tpu.memory_space<vmem>>, vector<16xi32>,
    %swap3A_111 = vector.shape_cast %swap3A_110 : vector<16xi32> to vector<16xi32>
    %swap3A_112 = vector.shape_cast %min3A_108 : vector<16xi32> to vector<16xi32>
    tpu.vector_store %arg5[%swap3A_109], %swap3A_112 {strides = array<i32>} : memref<2048xi32, #tpu.memory_space<vmem>>, vector<16xi32>,
    %get3A_113 = arith.constant 192 : index
    %get3A_114 = tpu.vector_load %arg5[%get3A_113] {strides = array<i32>} : memref<2048xi32, #tpu.memory_space<vmem>>, vector<16xi32>,
    %get3A_115 = vector.shape_cast %get3A_114 : vector<16xi32> to vector<16xi32>
    %max3A_116 = arith.maxsi %get3A_115, %broadcast_in_dim3A_6 : vector<16xi32>
    %min3A_117 = arith.minsi %max3A_116, %get3A_5 : vector<16xi32>
    %swap3A_118 = arith.constant 192 : index
    %swap3A_119 = tpu.vector_load %arg5[%swap3A_118] {strides = array<i32>} : memref<2048xi32, #tpu.memory_space<vmem>>, vector<16xi32>,
    %swap3A_120 = vector.shape_cast %swap3A_119 : vector<16xi32> to vector<16xi32>
    %swap3A_121 = vector.shape_cast %min3A_117 : vector<16xi32> to vector<16xi32>
    tpu.vector_store %arg5[%swap3A_118], %swap3A_121 {strides = array<i32>} : memref<2048xi32, #tpu.memory_space<vmem>>, vector<16xi32>,
    %get3A_122 = arith.constant 208 : index
    %get3A_123 = tpu.vector_load %arg5[%get3A_122] {strides = array<i32>} : memref<2048xi32, #tpu.memory_space<vmem>>, vector<16xi32>,
    %get3A_124 = vector.shape_cast %get3A_123 : vector<16xi32> to vector<16xi32>
    %max3A_125 = arith.maxsi %get3A_124, %broadcast_in_dim3A_6 : vector<16xi32>
    %min3A_126 = arith.minsi %max3A_125, %get3A_5 : vector<16xi32>
    %swap3A_127 = arith.constant 208 : index
    %swap3A_128 = tpu.vector_load %arg5[%swap3A_127] {strides = array<i32>} : memref<2048xi32, #tpu.memory_space<vmem>>, vector<16xi32>,
    %swap3A_129 = vector.shape_cast %swap3A_128 : vector<16xi32> to vector<16xi32>
    %swap3A_130 = vector.shape_cast %min3A_126 : vector<16xi32> to vector<16xi32>
    tpu.vector_store %arg5[%swap3A_127], %swap3A_130 {strides = array<i32>} : memref<2048xi32, #tpu.memory_space<vmem>>, vector<16xi32>,
    %get3A_131 = arith.constant 224 : index
    %get3A_132 = tpu.vector_load %arg5[%get3A_131] {strides = array<i32>} : memref<2048xi32, #tpu.memory_space<vmem>>, vector<16xi32>,
    %get3A_133 = vector.shape_cast %get3A_132 : vector<16xi32> to vector<16xi32>
    %max3A_134 = arith.maxsi %get3A_133, %broadcast_in_dim3A_6 : vector<16xi32>
    %min3A_135 = arith.minsi %max3A_134, %get3A_5 : vector<16xi32>
    %swap3A_136 = arith.constant 224 : index
    %swap3A_137 = tpu.vector_load %arg5[%swap3A_136] {strides = array<i32>} : memref<2048xi32, #tpu.memory_space<vmem>>, vector<16xi32>,
    %swap3A_138 = vector.shape_cast %swap3A_137 : vector<16xi32> to vector<16xi32>
    %swap3A_139 = vector.shape_cast %min3A_135 : vector<16xi32> to vector<16xi32>
    tpu.vector_store %arg5[%swap3A_136], %swap3A_139 {strides = array<i32>} : memref<2048xi32, #tpu.memory_space<vmem>>, vector<16xi32>,
    %get3A_140 = arith.constant 240 : index
    %get3A_141 = tpu.vector_load %arg5[%get3A_140] {strides = array<i32>} : memref<2048xi32, #tpu.memory_space<vmem>>, vector<16xi32>,
    %get3A_142 = vector.shape_cast %get3A_141 : vector<16xi32> to vector<16xi32>
    %max3A_143 = arith.maxsi %get3A_142, %broadcast_in_dim3A_6 : vector<16xi32>
    %min3A_144 = arith.minsi %max3A_143, %get3A_5 : vector<16xi32>
    %swap3A_145 = arith.constant 240 : index
    %swap3A_146 = tpu.vector_load %arg5[%swap3A_145] {strides = array<i32>} : memref<2048xi32, #tpu.memory_space<vmem>>, vector<16xi32>,
    %swap3A_147 = vector.shape_cast %swap3A_146 : vector<16xi32> to vector<16xi32>
    %swap3A_148 = vector.shape_cast %min3A_144 : vector<16xi32> to vector<16xi32>
    tpu.vector_store %arg5[%swap3A_145], %swap3A_148 {strides = array<i32>} : memref<2048xi32, #tpu.memory_space<vmem>>, vector<16xi32>,
    %get3A_149 = arith.constant 256 : index
    %get3A_150 = tpu.vector_load %arg5[%get3A_149] {strides = array<i32>} : memref<2048xi32, #tpu.memory_space<vmem>>, vector<16xi32>,
    %get3A_151 = vector.shape_cast %get3A_150 : vector<16xi32> to vector<16xi32>
    %max3A_152 = arith.maxsi %get3A_151, %broadcast_in_dim3A_6 : vector<16xi32>
    %min3A_153 = arith.minsi %max3A_152, %get3A_5 : vector<16xi32>
    %swap3A_154 = arith.constant 256 : index
    %swap3A_155 = tpu.vector_load %arg5[%swap3A_154] {strides = array<i32>} : memref<2048xi32, #tpu.memory_space<vmem>>, vector<16xi32>,
    %swap3A_156 = vector.shape_cast %swap3A_155 : vector<16xi32> to vector<16xi32>
    %swap3A_157 = vector.shape_cast %min3A_153 : vector<16xi32> to vector<16xi32>
    tpu.vector_store %arg5[%swap3A_154], %swap3A_157 {strides = array<i32>} : memref<2048xi32, #tpu.memory_space<vmem>>, vector<16xi32>,
    %get3A_158 = arith.constant 272 : index
    %get3A_159 = tpu.vector_load %arg5[%get3A_158] {strides = array<i32>} : memref<2048xi32, #tpu.memory_space<vmem>>, vector<16xi32>,
    %get3A_160 = vector.shape_cast %get3A_159 : vector<16xi32> to vector<16xi32>
    %max3A_161 = arith.maxsi %get3A_160, %broadcast_in_dim3A_6 : vector<16xi32>
    %min3A_162 = arith.minsi %max3A_161, %get3A_5 : vector<16xi32>
    %swap3A_163 = arith.constant 272 : index
    %swap3A_164 = tpu.vector_load %arg5[%swap3A_163] {strides = array<i32>} : memref<2048xi32, #tpu.memory_space<vmem>>, vector<16xi32>,
    %swap3A_165 = vector.shape_cast %swap3A_164 : vector<16xi32> to vector<16xi32>
    %swap3A_166 = vector.shape_cast %min3A_162 : vector<16xi32> to vector<16xi32>
    tpu.vector_store %arg5[%swap3A_163], %swap3A_166 {strides = array<i32>} : memref<2048xi32, #tpu.memory_space<vmem>>, vector<16xi32>,
    %get3A_167 = arith.constant 288 : index
    %get3A_168 = tpu.vector_load %arg5[%get3A_167] {strides = array<i32>} : memref<2048xi32, #tpu.memory_space<vmem>>, vector<16xi32>,
    %get3A_169 = vector.shape_cast %get3A_168 : vector<16xi32> to vector<16xi32>
    %max3A_170 = arith.maxsi %get3A_169, %broadcast_in_dim3A_6 : vector<16xi32>
    %min3A_171 = arith.minsi %max3A_170, %get3A_5 : vector<16xi32>
    %swap3A_172 = arith.constant 288 : index
    %swap3A_173 = tpu.vector_load %arg5[%swap3A_172] {strides = array<i32>} : memref<2048xi32, #tpu.memory_space<vmem>>, vector<16xi32>,
    %swap3A_174 = vector.shape_cast %swap3A_173 : vector<16xi32> to vector<16xi32>
    %swap3A_175 = vector.shape_cast %min3A_171 : vector<16xi32> to vector<16xi32>
    tpu.vector_store %arg5[%swap3A_172], %swap3A_175 {strides = array<i32>} : memref<2048xi32, #tpu.memory_space<vmem>>, vector<16xi32>,
    %get3A_176 = arith.constant 304 : index
    %get3A_177 = tpu.vector_load %arg5[%get3A_176] {strides = array<i32>} : memref<2048xi32, #tpu.memory_space<vmem>>, vector<16xi32>,
    %get3A_178 = vector.shape_cast %get3A_177 : vector<16xi32> to vector<16xi32>
    %max3A_179 = arith.maxsi %get3A_178, %broadcast_in_dim3A_6 : vector<16xi32>
    %min3A_180 = arith.minsi %max3A_179, %get3A_5 : vector<16xi32>
    %swap3A_181 = arith.constant 304 : index
    %swap3A_182 = tpu.vector_load %arg5[%swap3A_181] {strides = array<i32>} : memref<2048xi32, #tpu.memory_space<vmem>>, vector<16xi32>,
    %swap3A_183 = vector.shape_cast %swap3A_182 : vector<16xi32> to vector<16xi32>
    %swap3A_184 = vector.shape_cast %min3A_180 : vector<16xi32> to vector<16xi32>
    tpu.vector_store %arg5[%swap3A_181], %swap3A_184 {strides = array<i32>} : memref<2048xi32, #tpu.memory_space<vmem>>, vector<16xi32>,
    %get3A_185 = arith.constant 320 : index
    %get3A_186 = tpu.vector_load %arg5[%get3A_185] {strides = array<i32>} : memref<2048xi32, #tpu.memory_space<vmem>>, vector<16xi32>,
    %get3A_187 = vector.shape_cast %get3A_186 : vector<16xi32> to vector<16xi32>
    %max3A_188 = arith.maxsi %get3A_187, %broadcast_in_dim3A_6 : vector<16xi32>
    %min3A_189 = arith.minsi %max3A_188, %get3A_5 : vector<16xi32>
    %swap3A_190 = arith.constant 320 : index
    %swap3A_191 = tpu.vector_load %arg5[%swap3A_190] {strides = array<i32>} : memref<2048xi32, #tpu.memory_space<vmem>>, vector<16xi32>,
    %swap3A_192 = vector.shape_cast %swap3A_191 : vector<16xi32> to vector<16xi32>
    %swap3A_193 = vector.shape_cast %min3A_189 : vector<16xi32> to vector<16xi32>
    tpu.vector_store %arg5[%swap3A_190], %swap3A_193 {strides = array<i32>} : memref<2048xi32, #tpu.memory_space<vmem>>, vector<16xi32>,
    %get3A_194 = arith.constant 336 : index
    %get3A_195 = tpu.vector_load %arg5[%get3A_194] {strides = array<i32>} : memref<2048xi32, #tpu.memory_space<vmem>>, vector<16xi32>,
    %get3A_196 = vector.shape_cast %get3A_195 : vector<16xi32> to vector<16xi32>
    %max3A_197 = arith.maxsi %get3A_196, %broadcast_in_dim3A_6 : vector<16xi32>
    %min3A_198 = arith.minsi %max3A_197, %get3A_5 : vector<16xi32>
    %swap3A_199 = arith.constant 336 : index
    %swap3A_200 = tpu.vector_load %arg5[%swap3A_199] {strides = array<i32>} : memref<2048xi32, #tpu.memory_space<vmem>>, vector<16xi32>,
    %swap3A_201 = vector.shape_cast %swap3A_200 : vector<16xi32> to vector<16xi32>
    %swap3A_202 = vector.shape_cast %min3A_198 : vector<16xi32> to vector<16xi32>
    tpu.vector_store %arg5[%swap3A_199], %swap3A_202 {strides = array<i32>} : memref<2048xi32, #tpu.memory_space<vmem>>, vector<16xi32>,
    %get3A_203 = arith.constant 352 : index
    %get3A_204 = tpu.vector_load %arg5[%get3A_203] {strides = array<i32>} : memref<2048xi32, #tpu.memory_space<vmem>>, vector<16xi32>,
    %get3A_205 = vector.shape_cast %get3A_204 : vector<16xi32> to vector<16xi32>
    %max3A_206 = arith.maxsi %get3A_205, %broadcast_in_dim3A_6 : vector<16xi32>
    %min3A_207 = arith.minsi %max3A_206, %get3A_5 : vector<16xi32>
    %swap3A_208 = arith.constant 352 : index
    %swap3A_209 = tpu.vector_load %arg5[%swap3A_208] {strides = array<i32>} : memref<2048xi32, #tpu.memory_space<vmem>>, vector<16xi32>,
    %swap3A_210 = vector.shape_cast %swap3A_209 : vector<16xi32> to vector<16xi32>
    %swap3A_211 = vector.shape_cast %min3A_207 : vector<16xi32> to vector<16xi32>
    tpu.vector_store %arg5[%swap3A_208], %swap3A_211 {strides = array<i32>} : memref<2048xi32, #tpu.memory_space<vmem>>, vector<16xi32>,
    %get3A_212 = arith.constant 368 : index
    %get3A_213 = tpu.vector_load %arg5[%get3A_212] {strides = array<i32>} : memref<2048xi32, #tpu.memory_space<vmem>>, vector<16xi32>,
    %get3A_214 = vector.shape_cast %get3A_213 : vector<16xi32> to vector<16xi32>
    %max3A_215 = arith.maxsi %get3A_214, %broadcast_in_dim3A_6 : vector<16xi32>
    %min3A_216 = arith.minsi %max3A_215, %get3A_5 : vector<16xi32>
    %swap3A_217 = arith.constant 368 : index
    %swap3A_218 = tpu.vector_load %arg5[%swap3A_217] {strides = array<i32>} : memref<2048xi32, #tpu.memory_space<vmem>>, vector<16xi32>,
    %swap3A_219 = vector.shape_cast %swap3A_218 : vector<16xi32> to vector<16xi32>
    %swap3A_220 = vector.shape_cast %min3A_216 : vector<16xi32> to vector<16xi32>
    tpu.vector_store %arg5[%swap3A_217], %swap3A_220 {strides = array<i32>} : memref<2048xi32, #tpu.memory_space<vmem>>, vector<16xi32>,
    %get3A_221 = arith.constant 384 : index
    %get3A_222 = tpu.vector_load %arg5[%get3A_221] {strides = array<i32>} : memref<2048xi32, #tpu.memory_space<vmem>>, vector<16xi32>,
    %get3A_223 = vector.shape_cast %get3A_222 : vector<16xi32> to vector<16xi32>
    %max3A_224 = arith.maxsi %get3A_223, %broadcast_in_dim3A_6 : vector<16xi32>
    %min3A_225 = arith.minsi %max3A_224, %get3A_5 : vector<16xi32>
    %swap3A_226 = arith.constant 384 : index
    %swap3A_227 = tpu.vector_load %arg5[%swap3A_226] {strides = array<i32>} : memref<2048xi32, #tpu.memory_space<vmem>>, vector<16xi32>,
    %swap3A_228 = vector.shape_cast %swap3A_227 : vector<16xi32> to vector<16xi32>
    %swap3A_229 = vector.shape_cast %min3A_225 : vector<16xi32> to vector<16xi32>
    tpu.vector_store %arg5[%swap3A_226], %swap3A_229 {strides = array<i32>} : memref<2048xi32, #tpu.memory_space<vmem>>, vector<16xi32>,
    %get3A_230 = arith.constant 400 : index
    %get3A_231 = tpu.vector_load %arg5[%get3A_230] {strides = array<i32>} : memref<2048xi32, #tpu.memory_space<vmem>>, vector<16xi32>,
    %get3A_232 = vector.shape_cast %get3A_231 : vector<16xi32> to vector<16xi32>
    %max3A_233 = arith.maxsi %get3A_232, %broadcast_in_dim3A_6 : vector<16xi32>
    %min3A_234 = arith.minsi %max3A_233, %get3A_5 : vector<16xi32>
    %swap3A_235 = arith.constant 400 : index
    %swap3A_236 = tpu.vector_load %arg5[%swap3A_235] {strides = array<i32>} : memref<2048xi32, #tpu.memory_space<vmem>>, vector<16xi32>,
    %swap3A_237 = vector.shape_cast %swap3A_236 : vector<16xi32> to vector<16xi32>
    %swap3A_238 = vector.shape_cast %min3A_234 : vector<16xi32> to vector<16xi32>
    tpu.vector_store %arg5[%swap3A_235], %swap3A_238 {strides = array<i32>} : memref<2048xi32, #tpu.memory_space<vmem>>, vector<16xi32>,
    %get3A_239 = arith.constant 416 : index
    %get3A_240 = tpu.vector_load %arg5[%get3A_239] {strides = array<i32>} : memref<2048xi32, #tpu.memory_space<vmem>>, vector<16xi32>,
    %get3A_241 = vector.shape_cast %get3A_240 : vector<16xi32> to vector<16xi32>
    %max3A_242 = arith.maxsi %get3A_241, %broadcast_in_dim3A_6 : vector<16xi32>
    %min3A_243 = arith.minsi %max3A_242, %get3A_5 : vector<16xi32>
    %swap3A_244 = arith.constant 416 : index
    %swap3A_245 = tpu.vector_load %arg5[%swap3A_244] {strides = array<i32>} : memref<2048xi32, #tpu.memory_space<vmem>>, vector<16xi32>,
    %swap3A_246 = vector.shape_cast %swap3A_245 : vector<16xi32> to vector<16xi32>
    %swap3A_247 = vector.shape_cast %min3A_243 : vector<16xi32> to vector<16xi32>
    tpu.vector_store %arg5[%swap3A_244], %swap3A_247 {strides = array<i32>} : memref<2048xi32, #tpu.memory_space<vmem>>, vector<16xi32>,
    %get3A_248 = arith.constant 432 : index
    %get3A_249 = tpu.vector_load %arg5[%get3A_248] {strides = array<i32>} : memref<2048xi32, #tpu.memory_space<vmem>>, vector<16xi32>,
    %get3A_250 = vector.shape_cast %get3A_249 : vector<16xi32> to vector<16xi32>
    %max3A_251 = arith.maxsi %get3A_250, %broadcast_in_dim3A_6 : vector<16xi32>
    %min3A_252 = arith.minsi %max3A_251, %get3A_5 : vector<16xi32>
    %swap3A_253 = arith.constant 432 : index
    %swap3A_254 = tpu.vector_load %arg5[%swap3A_253] {strides = array<i32>} : memref<2048xi32, #tpu.memory_space<vmem>>, vector<16xi32>,
    %swap3A_255 = vector.shape_cast %swap3A_254 : vector<16xi32> to vector<16xi32>
    %swap3A_256 = vector.shape_cast %min3A_252 : vector<16xi32> to vector<16xi32>
    tpu.vector_store %arg5[%swap3A_253], %swap3A_256 {strides = array<i32>} : memref<2048xi32, #tpu.memory_space<vmem>>, vector<16xi32>,
    %get3A_257 = arith.constant 448 : index
    %get3A_258 = tpu.vector_load %arg5[%get3A_257] {strides = array<i32>} : memref<2048xi32, #tpu.memory_space<vmem>>, vector<16xi32>,
    %get3A_259 = vector.shape_cast %get3A_258 : vector<16xi32> to vector<16xi32>
    %max3A_260 = arith.maxsi %get3A_259, %broadcast_in_dim3A_6 : vector<16xi32>
    %min3A_261 = arith.minsi %max3A_260, %get3A_5 : vector<16xi32>
    %swap3A_262 = arith.constant 448 : index
    %swap3A_263 = tpu.vector_load %arg5[%swap3A_262] {strides = array<i32>} : memref<2048xi32, #tpu.memory_space<vmem>>, vector<16xi32>,
    %swap3A_264 = vector.shape_cast %swap3A_263 : vector<16xi32> to vector<16xi32>
    %swap3A_265 = vector.shape_cast %min3A_261 : vector<16xi32> to vector<16xi32>
    tpu.vector_store %arg5[%swap3A_262], %swap3A_265 {strides = array<i32>} : memref<2048xi32, #tpu.memory_space<vmem>>, vector<16xi32>,
    %get3A_266 = arith.constant 464 : index
    %get3A_267 = tpu.vector_load %arg5[%get3A_266] {strides = array<i32>} : memref<2048xi32, #tpu.memory_space<vmem>>, vector<16xi32>,
    %get3A_268 = vector.shape_cast %get3A_267 : vector<16xi32> to vector<16xi32>
    %max3A_269 = arith.maxsi %get3A_268, %broadcast_in_dim3A_6 : vector<16xi32>
    %min3A_270 = arith.minsi %max3A_269, %get3A_5 : vector<16xi32>
    %swap3A_271 = arith.constant 464 : index
    %swap3A_272 = tpu.vector_load %arg5[%swap3A_271] {strides = array<i32>} : memref<2048xi32, #tpu.memory_space<vmem>>, vector<16xi32>,
    %swap3A_273 = vector.shape_cast %swap3A_272 : vector<16xi32> to vector<16xi32>
    %swap3A_274 = vector.shape_cast %min3A_270 : vector<16xi32> to vector<16xi32>
    tpu.vector_store %arg5[%swap3A_271], %swap3A_274 {strides = array<i32>} : memref<2048xi32, #tpu.memory_space<vmem>>, vector<16xi32>,
    %get3A_275 = arith.constant 480 : index
    %get3A_276 = tpu.vector_load %arg5[%get3A_275] {strides = array<i32>} : memref<2048xi32, #tpu.memory_space<vmem>>, vector<16xi32>,
    %get3A_277 = vector.shape_cast %get3A_276 : vector<16xi32> to vector<16xi32>
    %max3A_278 = arith.maxsi %get3A_277, %broadcast_in_dim3A_6 : vector<16xi32>
    %min3A_279 = arith.minsi %max3A_278, %get3A_5 : vector<16xi32>
    %swap3A_280 = arith.constant 480 : index
    %swap3A_281 = tpu.vector_load %arg5[%swap3A_280] {strides = array<i32>} : memref<2048xi32, #tpu.memory_space<vmem>>, vector<16xi32>,
    %swap3A_282 = vector.shape_cast %swap3A_281 : vector<16xi32> to vector<16xi32>
    %swap3A_283 = vector.shape_cast %min3A_279 : vector<16xi32> to vector<16xi32>
    tpu.vector_store %arg5[%swap3A_280], %swap3A_283 {strides = array<i32>} : memref<2048xi32, #tpu.memory_space<vmem>>, vector<16xi32>,
    %get3A_284 = arith.constant 496 : index
    %get3A_285 = tpu.vector_load %arg5[%get3A_284] {strides = array<i32>} : memref<2048xi32, #tpu.memory_space<vmem>>, vector<16xi32>,
    %get3A_286 = vector.shape_cast %get3A_285 : vector<16xi32> to vector<16xi32>
    %max3A_287 = arith.maxsi %get3A_286, %broadcast_in_dim3A_6 : vector<16xi32>
    %min3A_288 = arith.minsi %max3A_287, %get3A_5 : vector<16xi32>
    %swap3A_289 = arith.constant 496 : index
    %swap3A_290 = tpu.vector_load %arg5[%swap3A_289] {strides = array<i32>} : memref<2048xi32, #tpu.memory_space<vmem>>, vector<16xi32>,
    %swap3A_291 = vector.shape_cast %swap3A_290 : vector<16xi32> to vector<16xi32>
    %swap3A_292 = vector.shape_cast %min3A_288 : vector<16xi32> to vector<16xi32>
    tpu.vector_store %arg5[%swap3A_289], %swap3A_292 {strides = array<i32>} : memref<2048xi32, #tpu.memory_space<vmem>>, vector<16xi32>,
    %get3A_293 = arith.constant 512 : index
    %get3A_294 = tpu.vector_load %arg5[%get3A_293] {strides = array<i32>} : memref<2048xi32, #tpu.memory_space<vmem>>, vector<16xi32>,
    %get3A_295 = vector.shape_cast %get3A_294 : vector<16xi32> to vector<16xi32>
    %max3A_296 = arith.maxsi %get3A_295, %broadcast_in_dim3A_6 : vector<16xi32>
    %min3A_297 = arith.minsi %max3A_296, %get3A_5 : vector<16xi32>
    %swap3A_298 = arith.constant 512 : index
    %swap3A_299 = tpu.vector_load %arg5[%swap3A_298] {strides = array<i32>} : memref<2048xi32, #tpu.memory_space<vmem>>, vector<16xi32>,
    %swap3A_300 = vector.shape_cast %swap3A_299 : vector<16xi32> to vector<16xi32>
    %swap3A_301 = vector.shape_cast %min3A_297 : vector<16xi32> to vector<16xi32>
    tpu.vector_store %arg5[%swap3A_298], %swap3A_301 {strides = array<i32>} : memref<2048xi32, #tpu.memory_space<vmem>>, vector<16xi32>,
    %get3A_302 = arith.constant 528 : index
    %get3A_303 = tpu.vector_load %arg5[%get3A_302] {strides = array<i32>} : memref<2048xi32, #tpu.memory_space<vmem>>, vector<16xi32>,
    %get3A_304 = vector.shape_cast %get3A_303 : vector<16xi32> to vector<16xi32>
    %max3A_305 = arith.maxsi %get3A_304, %broadcast_in_dim3A_6 : vector<16xi32>
    %min3A_306 = arith.minsi %max3A_305, %get3A_5 : vector<16xi32>
    %swap3A_307 = arith.constant 528 : index
    %swap3A_308 = tpu.vector_load %arg5[%swap3A_307] {strides = array<i32>} : memref<2048xi32, #tpu.memory_space<vmem>>, vector<16xi32>,
    %swap3A_309 = vector.shape_cast %swap3A_308 : vector<16xi32> to vector<16xi32>
    %swap3A_310 = vector.shape_cast %min3A_306 : vector<16xi32> to vector<16xi32>
    tpu.vector_store %arg5[%swap3A_307], %swap3A_310 {strides = array<i32>} : memref<2048xi32, #tpu.memory_space<vmem>>, vector<16xi32>,
    %get3A_311 = arith.constant 544 : index
    %get3A_312 = tpu.vector_load %arg5[%get3A_311] {strides = array<i32>} : memref<2048xi32, #tpu.memory_space<vmem>>, vector<16xi32>,
    %get3A_313 = vector.shape_cast %get3A_312 : vector<16xi32> to vector<16xi32>
    %max3A_314 = arith.maxsi %get3A_313, %broadcast_in_dim3A_6 : vector<16xi32>
    %min3A_315 = arith.minsi %max3A_314, %get3A_5 : vector<16xi32>
    %swap3A_316 = arith.constant 544 : index
    %swap3A_317 = tpu.vector_load %arg5[%swap3A_316] {strides = array<i32>} : memref<2048xi32, #tpu.memory_space<vmem>>, vector<16xi32>,
    %swap3A_318 = vector.shape_cast %swap3A_317 : vector<16xi32> to vector<16xi32>
    %swap3A_319 = vector.shape_cast %min3A_315 : vector<16xi32> to vector<16xi32>
    tpu.vector_store %arg5[%swap3A_316], %swap3A_319 {strides = array<i32>} : memref<2048xi32, #tpu.memory_space<vmem>>, vector<16xi32>,
    %get3A_320 = arith.constant 560 : index
    %get3A_321 = tpu.vector_load %arg5[%get3A_320] {strides = array<i32>} : memref<2048xi32, #tpu.memory_space<vmem>>, vector<16xi32>,
    %get3A_322 = vector.shape_cast %get3A_321 : vector<16xi32> to vector<16xi32>
    %max3A_323 = arith.maxsi %get3A_322, %broadcast_in_dim3A_6 : vector<16xi32>
    %min3A_324 = arith.minsi %max3A_323, %get3A_5 : vector<16xi32>
    %swap3A_325 = arith.constant 560 : index
    %swap3A_326 = tpu.vector_load %arg5[%swap3A_325] {strides = array<i32>} : memref<2048xi32, #tpu.memory_space<vmem>>, vector<16xi32>,
    %swap3A_327 = vector.shape_cast %swap3A_326 : vector<16xi32> to vector<16xi32>
    %swap3A_328 = vector.shape_cast %min3A_324 : vector<16xi32> to vector<16xi32>
    tpu.vector_store %arg5[%swap3A_325], %swap3A_328 {strides = array<i32>} : memref<2048xi32, #tpu.memory_space<vmem>>, vector<16xi32>,
    %get3A_329 = arith.constant 576 : index
    %get3A_330 = tpu.vector_load %arg5[%get3A_329] {strides = array<i32>} : memref<2048xi32, #tpu.memory_space<vmem>>, vector<16xi32>,
    %get3A_331 = vector.shape_cast %get3A_330 : vector<16xi32> to vector<16xi32>
    %max3A_332 = arith.maxsi %get3A_331, %broadcast_in_dim3A_6 : vector<16xi32>
    %min3A_333 = arith.minsi %max3A_332, %get3A_5 : vector<16xi32>
    %swap3A_334 = arith.constant 576 : index
    %swap3A_335 = tpu.vector_load %arg5[%swap3A_334] {strides = array<i32>} : memref<2048xi32, #tpu.memory_space<vmem>>, vector<16xi32>,
    %swap3A_336 = vector.shape_cast %swap3A_335 : vector<16xi32> to vector<16xi32>
    %swap3A_337 = vector.shape_cast %min3A_333 : vector<16xi32> to vector<16xi32>
    tpu.vector_store %arg5[%swap3A_334], %swap3A_337 {strides = array<i32>} : memref<2048xi32, #tpu.memory_space<vmem>>, vector<16xi32>,
    %get3A_338 = arith.constant 592 : index
    %get3A_339 = tpu.vector_load %arg5[%get3A_338] {strides = array<i32>} : memref<2048xi32, #tpu.memory_space<vmem>>, vector<16xi32>,
    %get3A_340 = vector.shape_cast %get3A_339 : vector<16xi32> to vector<16xi32>
    %max3A_341 = arith.maxsi %get3A_340, %broadcast_in_dim3A_6 : vector<16xi32>
    %min3A_342 = arith.minsi %max3A_341, %get3A_5 : vector<16xi32>
    %swap3A_343 = arith.constant 592 : index
    %swap3A_344 = tpu.vector_load %arg5[%swap3A_343] {strides = array<i32>} : memref<2048xi32, #tpu.memory_space<vmem>>, vector<16xi32>,
    %swap3A_345 = vector.shape_cast %swap3A_344 : vector<16xi32> to vector<16xi32>
    %swap3A_346 = vector.shape_cast %min3A_342 : vector<16xi32> to vector<16xi32>
    tpu.vector_store %arg5[%swap3A_343], %swap3A_346 {strides = array<i32>} : memref<2048xi32, #tpu.memory_space<vmem>>, vector<16xi32>,
    %get3A_347 = arith.constant 608 : index
    %get3A_348 = tpu.vector_load %arg5[%get3A_347] {strides = array<i32>} : memref<2048xi32, #tpu.memory_space<vmem>>, vector<16xi32>,
    %get3A_349 = vector.shape_cast %get3A_348 : vector<16xi32> to vector<16xi32>
    %max3A_350 = arith.maxsi %get3A_349, %broadcast_in_dim3A_6 : vector<16xi32>
    %min3A_351 = arith.minsi %max3A_350, %get3A_5 : vector<16xi32>
    %swap3A_352 = arith.constant 608 : index
    %swap3A_353 = tpu.vector_load %arg5[%swap3A_352] {strides = array<i32>} : memref<2048xi32, #tpu.memory_space<vmem>>, vector<16xi32>,
    %swap3A_354 = vector.shape_cast %swap3A_353 : vector<16xi32> to vector<16xi32>
    %swap3A_355 = vector.shape_cast %min3A_351 : vector<16xi32> to vector<16xi32>
    tpu.vector_store %arg5[%swap3A_352], %swap3A_355 {strides = array<i32>} : memref<2048xi32, #tpu.memory_space<vmem>>, vector<16xi32>,
    %get3A_356 = arith.constant 624 : index
    %get3A_357 = tpu.vector_load %arg5[%get3A_356] {strides = array<i32>} : memref<2048xi32, #tpu.memory_space<vmem>>, vector<16xi32>,
    %get3A_358 = vector.shape_cast %get3A_357 : vector<16xi32> to vector<16xi32>
    %max3A_359 = arith.maxsi %get3A_358, %broadcast_in_dim3A_6 : vector<16xi32>
    %min3A_360 = arith.minsi %max3A_359, %get3A_5 : vector<16xi32>
    %swap3A_361 = arith.constant 624 : index
    %swap3A_362 = tpu.vector_load %arg5[%swap3A_361] {strides = array<i32>} : memref<2048xi32, #tpu.memory_space<vmem>>, vector<16xi32>,
    %swap3A_363 = vector.shape_cast %swap3A_362 : vector<16xi32> to vector<16xi32>
    %swap3A_364 = vector.shape_cast %min3A_360 : vector<16xi32> to vector<16xi32>
    tpu.vector_store %arg5[%swap3A_361], %swap3A_364 {strides = array<i32>} : memref<2048xi32, #tpu.memory_space<vmem>>, vector<16xi32>,
    %get3A_365 = arith.constant 640 : index
    %get3A_366 = tpu.vector_load %arg5[%get3A_365] {strides = array<i32>} : memref<2048xi32, #tpu.memory_space<vmem>>, vector<16xi32>,
    %get3A_367 = vector.shape_cast %get3A_366 : vector<16xi32> to vector<16xi32>
    %max3A_368 = arith.maxsi %get3A_367, %broadcast_in_dim3A_6 : vector<16xi32>
    %min3A_369 = arith.minsi %max3A_368, %get3A_5 : vector<16xi32>
    %swap3A_370 = arith.constant 640 : index
    %swap3A_371 = tpu.vector_load %arg5[%swap3A_370] {strides = array<i32>} : memref<2048xi32, #tpu.memory_space<vmem>>, vector<16xi32>,
    %swap3A_372 = vector.shape_cast %swap3A_371 : vector<16xi32> to vector<16xi32>
    %swap3A_373 = vector.shape_cast %min3A_369 : vector<16xi32> to vector<16xi32>
    tpu.vector_store %arg5[%swap3A_370], %swap3A_373 {strides = array<i32>} : memref<2048xi32, #tpu.memory_space<vmem>>, vector<16xi32>,
    %get3A_374 = arith.constant 656 : index
    %get3A_375 = tpu.vector_load %arg5[%get3A_374] {strides = array<i32>} : memref<2048xi32, #tpu.memory_space<vmem>>, vector<16xi32>,
    %get3A_376 = vector.shape_cast %get3A_375 : vector<16xi32> to vector<16xi32>
    %max3A_377 = arith.maxsi %get3A_376, %broadcast_in_dim3A_6 : vector<16xi32>
    %min3A_378 = arith.minsi %max3A_377, %get3A_5 : vector<16xi32>
    %swap3A_379 = arith.constant 656 : index
    %swap3A_380 = tpu.vector_load %arg5[%swap3A_379] {strides = array<i32>} : memref<2048xi32, #tpu.memory_space<vmem>>, vector<16xi32>,
    %swap3A_381 = vector.shape_cast %swap3A_380 : vector<16xi32> to vector<16xi32>
    %swap3A_382 = vector.shape_cast %min3A_378 : vector<16xi32> to vector<16xi32>
    tpu.vector_store %arg5[%swap3A_379], %swap3A_382 {strides = array<i32>} : memref<2048xi32, #tpu.memory_space<vmem>>, vector<16xi32>,
    %get3A_383 = arith.constant 672 : index
    %get3A_384 = tpu.vector_load %arg5[%get3A_383] {strides = array<i32>} : memref<2048xi32, #tpu.memory_space<vmem>>, vector<16xi32>,
    %get3A_385 = vector.shape_cast %get3A_384 : vector<16xi32> to vector<16xi32>
    %max3A_386 = arith.maxsi %get3A_385, %broadcast_in_dim3A_6 : vector<16xi32>
    %min3A_387 = arith.minsi %max3A_386, %get3A_5 : vector<16xi32>
    %swap3A_388 = arith.constant 672 : index
    %swap3A_389 = tpu.vector_load %arg5[%swap3A_388] {strides = array<i32>} : memref<2048xi32, #tpu.memory_space<vmem>>, vector<16xi32>,
    %swap3A_390 = vector.shape_cast %swap3A_389 : vector<16xi32> to vector<16xi32>
    %swap3A_391 = vector.shape_cast %min3A_387 : vector<16xi32> to vector<16xi32>
    tpu.vector_store %arg5[%swap3A_388], %swap3A_391 {strides = array<i32>} : memref<2048xi32, #tpu.memory_space<vmem>>, vector<16xi32>,
    %get3A_392 = arith.constant 688 : index
    %get3A_393 = tpu.vector_load %arg5[%get3A_392] {strides = array<i32>} : memref<2048xi32, #tpu.memory_space<vmem>>, vector<16xi32>,
    %get3A_394 = vector.shape_cast %get3A_393 : vector<16xi32> to vector<16xi32>
    %max3A_395 = arith.maxsi %get3A_394, %broadcast_in_dim3A_6 : vector<16xi32>
    %min3A_396 = arith.minsi %max3A_395, %get3A_5 : vector<16xi32>
    %swap3A_397 = arith.constant 688 : index
    %swap3A_398 = tpu.vector_load %arg5[%swap3A_397] {strides = array<i32>} : memref<2048xi32, #tpu.memory_space<vmem>>, vector<16xi32>,
    %swap3A_399 = vector.shape_cast %swap3A_398 : vector<16xi32> to vector<16xi32>
    %swap3A_400 = vector.shape_cast %min3A_396 : vector<16xi32> to vector<16xi32>
    tpu.vector_store %arg5[%swap3A_397], %swap3A_400 {strides = array<i32>} : memref<2048xi32, #tpu.memory_space<vmem>>, vector<16xi32>,
    %get3A_401 = arith.constant 704 : index
    %get3A_402 = tpu.vector_load %arg5[%get3A_401] {strides = array<i32>} : memref<2048xi32, #tpu.memory_space<vmem>>, vector<16xi32>,
    %get3A_403 = vector.shape_cast %get3A_402 : vector<16xi32> to vector<16xi32>
    %max3A_404 = arith.maxsi %get3A_403, %broadcast_in_dim3A_6 : vector<16xi32>
    %min3A_405 = arith.minsi %max3A_404, %get3A_5 : vector<16xi32>
    %swap3A_406 = arith.constant 704 : index
    %swap3A_407 = tpu.vector_load %arg5[%swap3A_406] {strides = array<i32>} : memref<2048xi32, #tpu.memory_space<vmem>>, vector<16xi32>,
    %swap3A_408 = vector.shape_cast %swap3A_407 : vector<16xi32> to vector<16xi32>
    %swap3A_409 = vector.shape_cast %min3A_405 : vector<16xi32> to vector<16xi32>
    tpu.vector_store %arg5[%swap3A_406], %swap3A_409 {strides = array<i32>} : memref<2048xi32, #tpu.memory_space<vmem>>, vector<16xi32>,
    %get3A_410 = arith.constant 720 : index
    %get3A_411 = tpu.vector_load %arg5[%get3A_410] {strides = array<i32>} : memref<2048xi32, #tpu.memory_space<vmem>>, vector<16xi32>,
    %get3A_412 = vector.shape_cast %get3A_411 : vector<16xi32> to vector<16xi32>
    %max3A_413 = arith.maxsi %get3A_412, %broadcast_in_dim3A_6 : vector<16xi32>
    %min3A_414 = arith.minsi %max3A_413, %get3A_5 : vector<16xi32>
    %swap3A_415 = arith.constant 720 : index
    %swap3A_416 = tpu.vector_load %arg5[%swap3A_415] {strides = array<i32>} : memref<2048xi32, #tpu.memory_space<vmem>>, vector<16xi32>,
    %swap3A_417 = vector.shape_cast %swap3A_416 : vector<16xi32> to vector<16xi32>
    %swap3A_418 = vector.shape_cast %min3A_414 : vector<16xi32> to vector<16xi32>
    tpu.vector_store %arg5[%swap3A_415], %swap3A_418 {strides = array<i32>} : memref<2048xi32, #tpu.memory_space<vmem>>, vector<16xi32>,
    %get3A_419 = arith.constant 736 : index
    %get3A_420 = tpu.vector_load %arg5[%get3A_419] {strides = array<i32>} : memref<2048xi32, #tpu.memory_space<vmem>>, vector<16xi32>,
    %get3A_421 = vector.shape_cast %get3A_420 : vector<16xi32> to vector<16xi32>
    %max3A_422 = arith.maxsi %get3A_421, %broadcast_in_dim3A_6 : vector<16xi32>
    %min3A_423 = arith.minsi %max3A_422, %get3A_5 : vector<16xi32>
    %swap3A_424 = arith.constant 736 : index
    %swap3A_425 = tpu.vector_load %arg5[%swap3A_424] {strides = array<i32>} : memref<2048xi32, #tpu.memory_space<vmem>>, vector<16xi32>,
    %swap3A_426 = vector.shape_cast %swap3A_425 : vector<16xi32> to vector<16xi32>
    %swap3A_427 = vector.shape_cast %min3A_423 : vector<16xi32> to vector<16xi32>
    tpu.vector_store %arg5[%swap3A_424], %swap3A_427 {strides = array<i32>} : memref<2048xi32, #tpu.memory_space<vmem>>, vector<16xi32>,
    %get3A_428 = arith.constant 752 : index
    %get3A_429 = tpu.vector_load %arg5[%get3A_428] {strides = array<i32>} : memref<2048xi32, #tpu.memory_space<vmem>>, vector<16xi32>,
    %get3A_430 = vector.shape_cast %get3A_429 : vector<16xi32> to vector<16xi32>
    %max3A_431 = arith.maxsi %get3A_430, %broadcast_in_dim3A_6 : vector<16xi32>
    %min3A_432 = arith.minsi %max3A_431, %get3A_5 : vector<16xi32>
    %swap3A_433 = arith.constant 752 : index
    %swap3A_434 = tpu.vector_load %arg5[%swap3A_433] {strides = array<i32>} : memref<2048xi32, #tpu.memory_space<vmem>>, vector<16xi32>,
    %swap3A_435 = vector.shape_cast %swap3A_434 : vector<16xi32> to vector<16xi32>
    %swap3A_436 = vector.shape_cast %min3A_432 : vector<16xi32> to vector<16xi32>
    tpu.vector_store %arg5[%swap3A_433], %swap3A_436 {strides = array<i32>} : memref<2048xi32, #tpu.memory_space<vmem>>, vector<16xi32>,
    %get3A_437 = arith.constant 768 : index
    %get3A_438 = tpu.vector_load %arg5[%get3A_437] {strides = array<i32>} : memref<2048xi32, #tpu.memory_space<vmem>>, vector<16xi32>,
    %get3A_439 = vector.shape_cast %get3A_438 : vector<16xi32> to vector<16xi32>
    %max3A_440 = arith.maxsi %get3A_439, %broadcast_in_dim3A_6 : vector<16xi32>
    %min3A_441 = arith.minsi %max3A_440, %get3A_5 : vector<16xi32>
    %swap3A_442 = arith.constant 768 : index
    %swap3A_443 = tpu.vector_load %arg5[%swap3A_442] {strides = array<i32>} : memref<2048xi32, #tpu.memory_space<vmem>>, vector<16xi32>,
    %swap3A_444 = vector.shape_cast %swap3A_443 : vector<16xi32> to vector<16xi32>
    %swap3A_445 = vector.shape_cast %min3A_441 : vector<16xi32> to vector<16xi32>
    tpu.vector_store %arg5[%swap3A_442], %swap3A_445 {strides = array<i32>} : memref<2048xi32, #tpu.memory_space<vmem>>, vector<16xi32>,
    %get3A_446 = arith.constant 784 : index
    %get3A_447 = tpu.vector_load %arg5[%get3A_446] {strides = array<i32>} : memref<2048xi32, #tpu.memory_space<vmem>>, vector<16xi32>,
    %get3A_448 = vector.shape_cast %get3A_447 : vector<16xi32> to vector<16xi32>
    %max3A_449 = arith.maxsi %get3A_448, %broadcast_in_dim3A_6 : vector<16xi32>
    %min3A_450 = arith.minsi %max3A_449, %get3A_5 : vector<16xi32>
    %swap3A_451 = arith.constant 784 : index
    %swap3A_452 = tpu.vector_load %arg5[%swap3A_451] {strides = array<i32>} : memref<2048xi32, #tpu.memory_space<vmem>>, vector<16xi32>,
    %swap3A_453 = vector.shape_cast %swap3A_452 : vector<16xi32> to vector<16xi32>
    %swap3A_454 = vector.shape_cast %min3A_450 : vector<16xi32> to vector<16xi32>
    tpu.vector_store %arg5[%swap3A_451], %swap3A_454 {strides = array<i32>} : memref<2048xi32, #tpu.memory_space<vmem>>, vector<16xi32>,
    %get3A_455 = arith.constant 800 : index
    %get3A_456 = tpu.vector_load %arg5[%get3A_455] {strides = array<i32>} : memref<2048xi32, #tpu.memory_space<vmem>>, vector<16xi32>,
    %get3A_457 = vector.shape_cast %get3A_456 : vector<16xi32> to vector<16xi32>
    %max3A_458 = arith.maxsi %get3A_457, %broadcast_in_dim3A_6 : vector<16xi32>
    %min3A_459 = arith.minsi %max3A_458, %get3A_5 : vector<16xi32>
    %swap3A_460 = arith.constant 800 : index
    %swap3A_461 = tpu.vector_load %arg5[%swap3A_460] {strides = array<i32>} : memref<2048xi32, #tpu.memory_space<vmem>>, vector<16xi32>,
    %swap3A_462 = vector.shape_cast %swap3A_461 : vector<16xi32> to vector<16xi32>
    %swap3A_463 = vector.shape_cast %min3A_459 : vector<16xi32> to vector<16xi32>
    tpu.vector_store %arg5[%swap3A_460], %swap3A_463 {strides = array<i32>} : memref<2048xi32, #tpu.memory_space<vmem>>, vector<16xi32>,
    %get3A_464 = arith.constant 816 : index
    %get3A_465 = tpu.vector_load %arg5[%get3A_464] {strides = array<i32>} : memref<2048xi32, #tpu.memory_space<vmem>>, vector<16xi32>,
    %get3A_466 = vector.shape_cast %get3A_465 : vector<16xi32> to vector<16xi32>
    %max3A_467 = arith.maxsi %get3A_466, %broadcast_in_dim3A_6 : vector<16xi32>
    %min3A_468 = arith.minsi %max3A_467, %get3A_5 : vector<16xi32>
    %swap3A_469 = arith.constant 816 : index
    %swap3A_470 = tpu.vector_load %arg5[%swap3A_469] {strides = array<i32>} : memref<2048xi32, #tpu.memory_space<vmem>>, vector<16xi32>,
    %swap3A_471 = vector.shape_cast %swap3A_470 : vector<16xi32> to vector<16xi32>
    %swap3A_472 = vector.shape_cast %min3A_468 : vector<16xi32> to vector<16xi32>
    tpu.vector_store %arg5[%swap3A_469], %swap3A_472 {strides = array<i32>} : memref<2048xi32, #tpu.memory_space<vmem>>, vector<16xi32>,
    %get3A_473 = arith.constant 832 : index
    %get3A_474 = tpu.vector_load %arg5[%get3A_473] {strides = array<i32>} : memref<2048xi32, #tpu.memory_space<vmem>>, vector<16xi32>,
    %get3A_475 = vector.shape_cast %get3A_474 : vector<16xi32> to vector<16xi32>
    %max3A_476 = arith.maxsi %get3A_475, %broadcast_in_dim3A_6 : vector<16xi32>
    %min3A_477 = arith.minsi %max3A_476, %get3A_5 : vector<16xi32>
    %swap3A_478 = arith.constant 832 : index
    %swap3A_479 = tpu.vector_load %arg5[%swap3A_478] {strides = array<i32>} : memref<2048xi32, #tpu.memory_space<vmem>>, vector<16xi32>,
    %swap3A_480 = vector.shape_cast %swap3A_479 : vector<16xi32> to vector<16xi32>
    %swap3A_481 = vector.shape_cast %min3A_477 : vector<16xi32> to vector<16xi32>
    tpu.vector_store %arg5[%swap3A_478], %swap3A_481 {strides = array<i32>} : memref<2048xi32, #tpu.memory_space<vmem>>, vector<16xi32>,
    %get3A_482 = arith.constant 848 : index
    %get3A_483 = tpu.vector_load %arg5[%get3A_482] {strides = array<i32>} : memref<2048xi32, #tpu.memory_space<vmem>>, vector<16xi32>,
    %get3A_484 = vector.shape_cast %get3A_483 : vector<16xi32> to vector<16xi32>
    %max3A_485 = arith.maxsi %get3A_484, %broadcast_in_dim3A_6 : vector<16xi32>
    %min3A_486 = arith.minsi %max3A_485, %get3A_5 : vector<16xi32>
    %swap3A_487 = arith.constant 848 : index
    %swap3A_488 = tpu.vector_load %arg5[%swap3A_487] {strides = array<i32>} : memref<2048xi32, #tpu.memory_space<vmem>>, vector<16xi32>,
    %swap3A_489 = vector.shape_cast %swap3A_488 : vector<16xi32> to vector<16xi32>
    %swap3A_490 = vector.shape_cast %min3A_486 : vector<16xi32> to vector<16xi32>
    tpu.vector_store %arg5[%swap3A_487], %swap3A_490 {strides = array<i32>} : memref<2048xi32, #tpu.memory_space<vmem>>, vector<16xi32>,
    %get3A_491 = arith.constant 864 : index
    %get3A_492 = tpu.vector_load %arg5[%get3A_491] {strides = array<i32>} : memref<2048xi32, #tpu.memory_space<vmem>>, vector<16xi32>,
    %get3A_493 = vector.shape_cast %get3A_492 : vector<16xi32> to vector<16xi32>
    %max3A_494 = arith.maxsi %get3A_493, %broadcast_in_dim3A_6 : vector<16xi32>
    %min3A_495 = arith.minsi %max3A_494, %get3A_5 : vector<16xi32>
    %swap3A_496 = arith.constant 864 : index
    %swap3A_497 = tpu.vector_load %arg5[%swap3A_496] {strides = array<i32>} : memref<2048xi32, #tpu.memory_space<vmem>>, vector<16xi32>,
    %swap3A_498 = vector.shape_cast %swap3A_497 : vector<16xi32> to vector<16xi32>
    %swap3A_499 = vector.shape_cast %min3A_495 : vector<16xi32> to vector<16xi32>
    tpu.vector_store %arg5[%swap3A_496], %swap3A_499 {strides = array<i32>} : memref<2048xi32, #tpu.memory_space<vmem>>, vector<16xi32>,
    %get3A_500 = arith.constant 880 : index
    %get3A_501 = tpu.vector_load %arg5[%get3A_500] {strides = array<i32>} : memref<2048xi32, #tpu.memory_space<vmem>>, vector<16xi32>,
    %get3A_502 = vector.shape_cast %get3A_501 : vector<16xi32> to vector<16xi32>
    %max3A_503 = arith.maxsi %get3A_502, %broadcast_in_dim3A_6 : vector<16xi32>
    %min3A_504 = arith.minsi %max3A_503, %get3A_5 : vector<16xi32>
    %swap3A_505 = arith.constant 880 : index
    %swap3A_506 = tpu.vector_load %arg5[%swap3A_505] {strides = array<i32>} : memref<2048xi32, #tpu.memory_space<vmem>>, vector<16xi32>,
    %swap3A_507 = vector.shape_cast %swap3A_506 : vector<16xi32> to vector<16xi32>
    %swap3A_508 = vector.shape_cast %min3A_504 : vector<16xi32> to vector<16xi32>
    tpu.vector_store %arg5[%swap3A_505], %swap3A_508 {strides = array<i32>} : memref<2048xi32, #tpu.memory_space<vmem>>, vector<16xi32>,
    %get3A_509 = arith.constant 896 : index
    %get3A_510 = tpu.vector_load %arg5[%get3A_509] {strides = array<i32>} : memref<2048xi32, #tpu.memory_space<vmem>>, vector<16xi32>,
    %get3A_511 = vector.shape_cast %get3A_510 : vector<16xi32> to vector<16xi32>
    %max3A_512 = arith.maxsi %get3A_511, %broadcast_in_dim3A_6 : vector<16xi32>
    %min3A_513 = arith.minsi %max3A_512, %get3A_5 : vector<16xi32>
    %swap3A_514 = arith.constant 896 : index
    %swap3A_515 = tpu.vector_load %arg5[%swap3A_514] {strides = array<i32>} : memref<2048xi32, #tpu.memory_space<vmem>>, vector<16xi32>,
    %swap3A_516 = vector.shape_cast %swap3A_515 : vector<16xi32> to vector<16xi32>
    %swap3A_517 = vector.shape_cast %min3A_513 : vector<16xi32> to vector<16xi32>
    tpu.vector_store %arg5[%swap3A_514], %swap3A_517 {strides = array<i32>} : memref<2048xi32, #tpu.memory_space<vmem>>, vector<16xi32>,
    %get3A_518 = arith.constant 912 : index
    %get3A_519 = tpu.vector_load %arg5[%get3A_518] {strides = array<i32>} : memref<2048xi32, #tpu.memory_space<vmem>>, vector<16xi32>,
    %get3A_520 = vector.shape_cast %get3A_519 : vector<16xi32> to vector<16xi32>
    %max3A_521 = arith.maxsi %get3A_520, %broadcast_in_dim3A_6 : vector<16xi32>
    %min3A_522 = arith.minsi %max3A_521, %get3A_5 : vector<16xi32>
    %swap3A_523 = arith.constant 912 : index
    %swap3A_524 = tpu.vector_load %arg5[%swap3A_523] {strides = array<i32>} : memref<2048xi32, #tpu.memory_space<vmem>>, vector<16xi32>,
    %swap3A_525 = vector.shape_cast %swap3A_524 : vector<16xi32> to vector<16xi32>
    %swap3A_526 = vector.shape_cast %min3A_522 : vector<16xi32> to vector<16xi32>
    tpu.vector_store %arg5[%swap3A_523], %swap3A_526 {strides = array<i32>} : memref<2048xi32, #tpu.memory_space<vmem>>, vector<16xi32>,
    %get3A_527 = arith.constant 928 : index
    %get3A_528 = tpu.vector_load %arg5[%get3A_527] {strides = array<i32>} : memref<2048xi32, #tpu.memory_space<vmem>>, vector<16xi32>,
    %get3A_529 = vector.shape_cast %get3A_528 : vector<16xi32> to vector<16xi32>
    %max3A_530 = arith.maxsi %get3A_529, %broadcast_in_dim3A_6 : vector<16xi32>
    %min3A_531 = arith.minsi %max3A_530, %get3A_5 : vector<16xi32>
    %swap3A_532 = arith.constant 928 : index
    %swap3A_533 = tpu.vector_load %arg5[%swap3A_532] {strides = array<i32>} : memref<2048xi32, #tpu.memory_space<vmem>>, vector<16xi32>,
    %swap3A_534 = vector.shape_cast %swap3A_533 : vector<16xi32> to vector<16xi32>
    %swap3A_535 = vector.shape_cast %min3A_531 : vector<16xi32> to vector<16xi32>
    tpu.vector_store %arg5[%swap3A_532], %swap3A_535 {strides = array<i32>} : memref<2048xi32, #tpu.memory_space<vmem>>, vector<16xi32>,
    %get3A_536 = arith.constant 944 : index
    %get3A_537 = tpu.vector_load %arg5[%get3A_536] {strides = array<i32>} : memref<2048xi32, #tpu.memory_space<vmem>>, vector<16xi32>,
    %get3A_538 = vector.shape_cast %get3A_537 : vector<16xi32> to vector<16xi32>
    %max3A_539 = arith.maxsi %get3A_538, %broadcast_in_dim3A_6 : vector<16xi32>
    %min3A_540 = arith.minsi %max3A_539, %get3A_5 : vector<16xi32>
    %swap3A_541 = arith.constant 944 : index
    %swap3A_542 = tpu.vector_load %arg5[%swap3A_541] {strides = array<i32>} : memref<2048xi32, #tpu.memory_space<vmem>>, vector<16xi32>,
    %swap3A_543 = vector.shape_cast %swap3A_542 : vector<16xi32> to vector<16xi32>
    %swap3A_544 = vector.shape_cast %min3A_540 : vector<16xi32> to vector<16xi32>
    tpu.vector_store %arg5[%swap3A_541], %swap3A_544 {strides = array<i32>} : memref<2048xi32, #tpu.memory_space<vmem>>, vector<16xi32>,
    %get3A_545 = arith.constant 960 : index
    %get3A_546 = tpu.vector_load %arg5[%get3A_545] {strides = array<i32>} : memref<2048xi32, #tpu.memory_space<vmem>>, vector<16xi32>,
    %get3A_547 = vector.shape_cast %get3A_546 : vector<16xi32> to vector<16xi32>
    %max3A_548 = arith.maxsi %get3A_547, %broadcast_in_dim3A_6 : vector<16xi32>
    %min3A_549 = arith.minsi %max3A_548, %get3A_5 : vector<16xi32>
    %swap3A_550 = arith.constant 960 : index
    %swap3A_551 = tpu.vector_load %arg5[%swap3A_550] {strides = array<i32>} : memref<2048xi32, #tpu.memory_space<vmem>>, vector<16xi32>,
    %swap3A_552 = vector.shape_cast %swap3A_551 : vector<16xi32> to vector<16xi32>
    %swap3A_553 = vector.shape_cast %min3A_549 : vector<16xi32> to vector<16xi32>
    tpu.vector_store %arg5[%swap3A_550], %swap3A_553 {strides = array<i32>} : memref<2048xi32, #tpu.memory_space<vmem>>, vector<16xi32>,
    %get3A_554 = arith.constant 976 : index
    %get3A_555 = tpu.vector_load %arg5[%get3A_554] {strides = array<i32>} : memref<2048xi32, #tpu.memory_space<vmem>>, vector<16xi32>,
    %get3A_556 = vector.shape_cast %get3A_555 : vector<16xi32> to vector<16xi32>
    %max3A_557 = arith.maxsi %get3A_556, %broadcast_in_dim3A_6 : vector<16xi32>
    %min3A_558 = arith.minsi %max3A_557, %get3A_5 : vector<16xi32>
    %swap3A_559 = arith.constant 976 : index
    %swap3A_560 = tpu.vector_load %arg5[%swap3A_559] {strides = array<i32>} : memref<2048xi32, #tpu.memory_space<vmem>>, vector<16xi32>,
    %swap3A_561 = vector.shape_cast %swap3A_560 : vector<16xi32> to vector<16xi32>
    %swap3A_562 = vector.shape_cast %min3A_558 : vector<16xi32> to vector<16xi32>
    tpu.vector_store %arg5[%swap3A_559], %swap3A_562 {strides = array<i32>} : memref<2048xi32, #tpu.memory_space<vmem>>, vector<16xi32>,
    %get3A_563 = arith.constant 992 : index
    %get3A_564 = tpu.vector_load %arg5[%get3A_563] {strides = array<i32>} : memref<2048xi32, #tpu.memory_space<vmem>>, vector<16xi32>,
    %get3A_565 = vector.shape_cast %get3A_564 : vector<16xi32> to vector<16xi32>
    %max3A_566 = arith.maxsi %get3A_565, %broadcast_in_dim3A_6 : vector<16xi32>
    %min3A_567 = arith.minsi %max3A_566, %get3A_5 : vector<16xi32>
    %swap3A_568 = arith.constant 992 : index
    %swap3A_569 = tpu.vector_load %arg5[%swap3A_568] {strides = array<i32>} : memref<2048xi32, #tpu.memory_space<vmem>>, vector<16xi32>,
    %swap3A_570 = vector.shape_cast %swap3A_569 : vector<16xi32> to vector<16xi32>
    %swap3A_571 = vector.shape_cast %min3A_567 : vector<16xi32> to vector<16xi32>
    tpu.vector_store %arg5[%swap3A_568], %swap3A_571 {strides = array<i32>} : memref<2048xi32, #tpu.memory_space<vmem>>, vector<16xi32>,
    %get3A_572 = arith.constant 1008 : index
    %get3A_573 = tpu.vector_load %arg5[%get3A_572] {strides = array<i32>} : memref<2048xi32, #tpu.memory_space<vmem>>, vector<16xi32>,
    %get3A_574 = vector.shape_cast %get3A_573 : vector<16xi32> to vector<16xi32>
    %max3A_575 = arith.maxsi %get3A_574, %broadcast_in_dim3A_6 : vector<16xi32>
    %min3A_576 = arith.minsi %max3A_575, %get3A_5 : vector<16xi32>
    %swap3A_577 = arith.constant 1008 : index
    %swap3A_578 = tpu.vector_load %arg5[%swap3A_577] {strides = array<i32>} : memref<2048xi32, #tpu.memory_space<vmem>>, vector<16xi32>,
    %swap3A_579 = vector.shape_cast %swap3A_578 : vector<16xi32> to vector<16xi32>
    %swap3A_580 = vector.shape_cast %min3A_576 : vector<16xi32> to vector<16xi32>
    tpu.vector_store %arg5[%swap3A_577], %swap3A_580 {strides = array<i32>} : memref<2048xi32, #tpu.memory_space<vmem>>, vector<16xi32>,
    %get3A_581 = arith.constant 1024 : index
    %get3A_582 = tpu.vector_load %arg5[%get3A_581] {strides = array<i32>} : memref<2048xi32, #tpu.memory_space<vmem>>, vector<16xi32>,
    %get3A_583 = vector.shape_cast %get3A_582 : vector<16xi32> to vector<16xi32>
    %max3A_584 = arith.maxsi %get3A_583, %broadcast_in_dim3A_6 : vector<16xi32>
    %min3A_585 = arith.minsi %max3A_584, %get3A_5 : vector<16xi32>
    %swap3A_586 = arith.constant 1024 : index
    %swap3A_587 = tpu.vector_load %arg5[%swap3A_586] {strides = array<i32>} : memref<2048xi32, #tpu.memory_space<vmem>>, vector<16xi32>,
    %swap3A_588 = vector.shape_cast %swap3A_587 : vector<16xi32> to vector<16xi32>
    %swap3A_589 = vector.shape_cast %min3A_585 : vector<16xi32> to vector<16xi32>
    tpu.vector_store %arg5[%swap3A_586], %swap3A_589 {strides = array<i32>} : memref<2048xi32, #tpu.memory_space<vmem>>, vector<16xi32>,
    %get3A_590 = arith.constant 1040 : index
    %get3A_591 = tpu.vector_load %arg5[%get3A_590] {strides = array<i32>} : memref<2048xi32, #tpu.memory_space<vmem>>, vector<16xi32>,
    %get3A_592 = vector.shape_cast %get3A_591 : vector<16xi32> to vector<16xi32>
    %max3A_593 = arith.maxsi %get3A_592, %broadcast_in_dim3A_6 : vector<16xi32>
    %min3A_594 = arith.minsi %max3A_593, %get3A_5 : vector<16xi32>
    %swap3A_595 = arith.constant 1040 : index
    %swap3A_596 = tpu.vector_load %arg5[%swap3A_595] {strides = array<i32>} : memref<2048xi32, #tpu.memory_space<vmem>>, vector<16xi32>,
    %swap3A_597 = vector.shape_cast %swap3A_596 : vector<16xi32> to vector<16xi32>
    %swap3A_598 = vector.shape_cast %min3A_594 : vector<16xi32> to vector<16xi32>
    tpu.vector_store %arg5[%swap3A_595], %swap3A_598 {strides = array<i32>} : memref<2048xi32, #tpu.memory_space<vmem>>, vector<16xi32>,
    %get3A_599 = arith.constant 1056 : index
    %get3A_600 = tpu.vector_load %arg5[%get3A_599] {strides = array<i32>} : memref<2048xi32, #tpu.memory_space<vmem>>, vector<16xi32>,
    %get3A_601 = vector.shape_cast %get3A_600 : vector<16xi32> to vector<16xi32>
    %max3A_602 = arith.maxsi %get3A_601, %broadcast_in_dim3A_6 : vector<16xi32>
    %min3A_603 = arith.minsi %max3A_602, %get3A_5 : vector<16xi32>
    %swap3A_604 = arith.constant 1056 : index
    %swap3A_605 = tpu.vector_load %arg5[%swap3A_604] {strides = array<i32>} : memref<2048xi32, #tpu.memory_space<vmem>>, vector<16xi32>,
    %swap3A_606 = vector.shape_cast %swap3A_605 : vector<16xi32> to vector<16xi32>
    %swap3A_607 = vector.shape_cast %min3A_603 : vector<16xi32> to vector<16xi32>
    tpu.vector_store %arg5[%swap3A_604], %swap3A_607 {strides = array<i32>} : memref<2048xi32, #tpu.memory_space<vmem>>, vector<16xi32>,
    %get3A_608 = arith.constant 1072 : index
    %get3A_609 = tpu.vector_load %arg5[%get3A_608] {strides = array<i32>} : memref<2048xi32, #tpu.memory_space<vmem>>, vector<16xi32>,
    %get3A_610 = vector.shape_cast %get3A_609 : vector<16xi32> to vector<16xi32>
    %max3A_611 = arith.maxsi %get3A_610, %broadcast_in_dim3A_6 : vector<16xi32>
    %min3A_612 = arith.minsi %max3A_611, %get3A_5 : vector<16xi32>
    %swap3A_613 = arith.constant 1072 : index
    %swap3A_614 = tpu.vector_load %arg5[%swap3A_613] {strides = array<i32>} : memref<2048xi32, #tpu.memory_space<vmem>>, vector<16xi32>,
    %swap3A_615 = vector.shape_cast %swap3A_614 : vector<16xi32> to vector<16xi32>
    %swap3A_616 = vector.shape_cast %min3A_612 : vector<16xi32> to vector<16xi32>
    tpu.vector_store %arg5[%swap3A_613], %swap3A_616 {strides = array<i32>} : memref<2048xi32, #tpu.memory_space<vmem>>, vector<16xi32>,
    %get3A_617 = arith.constant 1088 : index
    %get3A_618 = tpu.vector_load %arg5[%get3A_617] {strides = array<i32>} : memref<2048xi32, #tpu.memory_space<vmem>>, vector<16xi32>,
    %get3A_619 = vector.shape_cast %get3A_618 : vector<16xi32> to vector<16xi32>
    %max3A_620 = arith.maxsi %get3A_619, %broadcast_in_dim3A_6 : vector<16xi32>
    %min3A_621 = arith.minsi %max3A_620, %get3A_5 : vector<16xi32>
    %swap3A_622 = arith.constant 1088 : index
    %swap3A_623 = tpu.vector_load %arg5[%swap3A_622] {strides = array<i32>} : memref<2048xi32, #tpu.memory_space<vmem>>, vector<16xi32>,
    %swap3A_624 = vector.shape_cast %swap3A_623 : vector<16xi32> to vector<16xi32>
    %swap3A_625 = vector.shape_cast %min3A_621 : vector<16xi32> to vector<16xi32>
    tpu.vector_store %arg5[%swap3A_622], %swap3A_625 {strides = array<i32>} : memref<2048xi32, #tpu.memory_space<vmem>>, vector<16xi32>,
    %get3A_626 = arith.constant 1104 : index
    %get3A_627 = tpu.vector_load %arg5[%get3A_626] {strides = array<i32>} : memref<2048xi32, #tpu.memory_space<vmem>>, vector<16xi32>,
    %get3A_628 = vector.shape_cast %get3A_627 : vector<16xi32> to vector<16xi32>
    %max3A_629 = arith.maxsi %get3A_628, %broadcast_in_dim3A_6 : vector<16xi32>
    %min3A_630 = arith.minsi %max3A_629, %get3A_5 : vector<16xi32>
    %swap3A_631 = arith.constant 1104 : index
    %swap3A_632 = tpu.vector_load %arg5[%swap3A_631] {strides = array<i32>} : memref<2048xi32, #tpu.memory_space<vmem>>, vector<16xi32>,
    %swap3A_633 = vector.shape_cast %swap3A_632 : vector<16xi32> to vector<16xi32>
    %swap3A_634 = vector.shape_cast %min3A_630 : vector<16xi32> to vector<16xi32>
    tpu.vector_store %arg5[%swap3A_631], %swap3A_634 {strides = array<i32>} : memref<2048xi32, #tpu.memory_space<vmem>>, vector<16xi32>,
    %get3A_635 = arith.constant 1120 : index
    %get3A_636 = tpu.vector_load %arg5[%get3A_635] {strides = array<i32>} : memref<2048xi32, #tpu.memory_space<vmem>>, vector<16xi32>,
    %get3A_637 = vector.shape_cast %get3A_636 : vector<16xi32> to vector<16xi32>
    %max3A_638 = arith.maxsi %get3A_637, %broadcast_in_dim3A_6 : vector<16xi32>
    %min3A_639 = arith.minsi %max3A_638, %get3A_5 : vector<16xi32>
    %swap3A_640 = arith.constant 1120 : index
    %swap3A_641 = tpu.vector_load %arg5[%swap3A_640] {strides = array<i32>} : memref<2048xi32, #tpu.memory_space<vmem>>, vector<16xi32>,
    %swap3A_642 = vector.shape_cast %swap3A_641 : vector<16xi32> to vector<16xi32>
    %swap3A_643 = vector.shape_cast %min3A_639 : vector<16xi32> to vector<16xi32>
    tpu.vector_store %arg5[%swap3A_640], %swap3A_643 {strides = array<i32>} : memref<2048xi32, #tpu.memory_space<vmem>>, vector<16xi32>,
    %get3A_644 = arith.constant 1136 : index
    %get3A_645 = tpu.vector_load %arg5[%get3A_644] {strides = array<i32>} : memref<2048xi32, #tpu.memory_space<vmem>>, vector<16xi32>,
    %get3A_646 = vector.shape_cast %get3A_645 : vector<16xi32> to vector<16xi32>
    %max3A_647 = arith.maxsi %get3A_646, %broadcast_in_dim3A_6 : vector<16xi32>
    %min3A_648 = arith.minsi %max3A_647, %get3A_5 : vector<16xi32>
    %swap3A_649 = arith.constant 1136 : index
    %swap3A_650 = tpu.vector_load %arg5[%swap3A_649] {strides = array<i32>} : memref<2048xi32, #tpu.memory_space<vmem>>, vector<16xi32>,
    %swap3A_651 = vector.shape_cast %swap3A_650 : vector<16xi32> to vector<16xi32>
    %swap3A_652 = vector.shape_cast %min3A_648 : vector<16xi32> to vector<16xi32>
    tpu.vector_store %arg5[%swap3A_649], %swap3A_652 {strides = array<i32>} : memref<2048xi32, #tpu.memory_space<vmem>>, vector<16xi32>,
    %get3A_653 = arith.constant 1152 : index
    %get3A_654 = tpu.vector_load %arg5[%get3A_653] {strides = array<i32>} : memref<2048xi32, #tpu.memory_space<vmem>>, vector<16xi32>,
    %get3A_655 = vector.shape_cast %get3A_654 : vector<16xi32> to vector<16xi32>
    %max3A_656 = arith.maxsi %get3A_655, %broadcast_in_dim3A_6 : vector<16xi32>
    %min3A_657 = arith.minsi %max3A_656, %get3A_5 : vector<16xi32>
    %swap3A_658 = arith.constant 1152 : index
    %swap3A_659 = tpu.vector_load %arg5[%swap3A_658] {strides = array<i32>} : memref<2048xi32, #tpu.memory_space<vmem>>, vector<16xi32>,
    %swap3A_660 = vector.shape_cast %swap3A_659 : vector<16xi32> to vector<16xi32>
    %swap3A_661 = vector.shape_cast %min3A_657 : vector<16xi32> to vector<16xi32>
    tpu.vector_store %arg5[%swap3A_658], %swap3A_661 {strides = array<i32>} : memref<2048xi32, #tpu.memory_space<vmem>>, vector<16xi32>,
    %get3A_662 = arith.constant 1168 : index
    %get3A_663 = tpu.vector_load %arg5[%get3A_662] {strides = array<i32>} : memref<2048xi32, #tpu.memory_space<vmem>>, vector<16xi32>,
    %get3A_664 = vector.shape_cast %get3A_663 : vector<16xi32> to vector<16xi32>
    %max3A_665 = arith.maxsi %get3A_664, %broadcast_in_dim3A_6 : vector<16xi32>
    %min3A_666 = arith.minsi %max3A_665, %get3A_5 : vector<16xi32>
    %swap3A_667 = arith.constant 1168 : index
    %swap3A_668 = tpu.vector_load %arg5[%swap3A_667] {strides = array<i32>} : memref<2048xi32, #tpu.memory_space<vmem>>, vector<16xi32>,
    %swap3A_669 = vector.shape_cast %swap3A_668 : vector<16xi32> to vector<16xi32>
    %swap3A_670 = vector.shape_cast %min3A_666 : vector<16xi32> to vector<16xi32>
    tpu.vector_store %arg5[%swap3A_667], %swap3A_670 {strides = array<i32>} : memref<2048xi32, #tpu.memory_space<vmem>>, vector<16xi32>,
    %get3A_671 = arith.constant 1184 : index
    %get3A_672 = tpu.vector_load %arg5[%get3A_671] {strides = array<i32>} : memref<2048xi32, #tpu.memory_space<vmem>>, vector<16xi32>,
    %get3A_673 = vector.shape_cast %get3A_672 : vector<16xi32> to vector<16xi32>
    %max3A_674 = arith.maxsi %get3A_673, %broadcast_in_dim3A_6 : vector<16xi32>
    %min3A_675 = arith.minsi %max3A_674, %get3A_5 : vector<16xi32>
    %swap3A_676 = arith.constant 1184 : index
    %swap3A_677 = tpu.vector_load %arg5[%swap3A_676] {strides = array<i32>} : memref<2048xi32, #tpu.memory_space<vmem>>, vector<16xi32>,
    %swap3A_678 = vector.shape_cast %swap3A_677 : vector<16xi32> to vector<16xi32>
    %swap3A_679 = vector.shape_cast %min3A_675 : vector<16xi32> to vector<16xi32>
    tpu.vector_store %arg5[%swap3A_676], %swap3A_679 {strides = array<i32>} : memref<2048xi32, #tpu.memory_space<vmem>>, vector<16xi32>,
    %get3A_680 = arith.constant 1200 : index
    %get3A_681 = tpu.vector_load %arg5[%get3A_680] {strides = array<i32>} : memref<2048xi32, #tpu.memory_space<vmem>>, vector<16xi32>,
    %get3A_682 = vector.shape_cast %get3A_681 : vector<16xi32> to vector<16xi32>
    %max3A_683 = arith.maxsi %get3A_682, %broadcast_in_dim3A_6 : vector<16xi32>
    %min3A_684 = arith.minsi %max3A_683, %get3A_5 : vector<16xi32>
    %swap3A_685 = arith.constant 1200 : index
    %swap3A_686 = tpu.vector_load %arg5[%swap3A_685] {strides = array<i32>} : memref<2048xi32, #tpu.memory_space<vmem>>, vector<16xi32>,
    %swap3A_687 = vector.shape_cast %swap3A_686 : vector<16xi32> to vector<16xi32>
    %swap3A_688 = vector.shape_cast %min3A_684 : vector<16xi32> to vector<16xi32>
    tpu.vector_store %arg5[%swap3A_685], %swap3A_688 {strides = array<i32>} : memref<2048xi32, #tpu.memory_space<vmem>>, vector<16xi32>,
    %get3A_689 = arith.constant 1216 : index
    %get3A_690 = tpu.vector_load %arg5[%get3A_689] {strides = array<i32>} : memref<2048xi32, #tpu.memory_space<vmem>>, vector<16xi32>,
    %get3A_691 = vector.shape_cast %get3A_690 : vector<16xi32> to vector<16xi32>
    %max3A_692 = arith.maxsi %get3A_691, %broadcast_in_dim3A_6 : vector<16xi32>
    %min3A_693 = arith.minsi %max3A_692, %get3A_5 : vector<16xi32>
    %swap3A_694 = arith.constant 1216 : index
    %swap3A_695 = tpu.vector_load %arg5[%swap3A_694] {strides = array<i32>} : memref<2048xi32, #tpu.memory_space<vmem>>, vector<16xi32>,
    %swap3A_696 = vector.shape_cast %swap3A_695 : vector<16xi32> to vector<16xi32>
    %swap3A_697 = vector.shape_cast %min3A_693 : vector<16xi32> to vector<16xi32>
    tpu.vector_store %arg5[%swap3A_694], %swap3A_697 {strides = array<i32>} : memref<2048xi32, #tpu.memory_space<vmem>>, vector<16xi32>,
    %get3A_698 = arith.constant 1232 : index
    %get3A_699 = tpu.vector_load %arg5[%get3A_698] {strides = array<i32>} : memref<2048xi32, #tpu.memory_space<vmem>>, vector<16xi32>,
    %get3A_700 = vector.shape_cast %get3A_699 : vector<16xi32> to vector<16xi32>
    %max3A_701 = arith.maxsi %get3A_700, %broadcast_in_dim3A_6 : vector<16xi32>
    %min3A_702 = arith.minsi %max3A_701, %get3A_5 : vector<16xi32>
    %swap3A_703 = arith.constant 1232 : index
    %swap3A_704 = tpu.vector_load %arg5[%swap3A_703] {strides = array<i32>} : memref<2048xi32, #tpu.memory_space<vmem>>, vector<16xi32>,
    %swap3A_705 = vector.shape_cast %swap3A_704 : vector<16xi32> to vector<16xi32>
    %swap3A_706 = vector.shape_cast %min3A_702 : vector<16xi32> to vector<16xi32>
    tpu.vector_store %arg5[%swap3A_703], %swap3A_706 {strides = array<i32>} : memref<2048xi32, #tpu.memory_space<vmem>>, vector<16xi32>,
    %get3A_707 = arith.constant 1248 : index
    %get3A_708 = tpu.vector_load %arg5[%get3A_707] {strides = array<i32>} : memref<2048xi32, #tpu.memory_space<vmem>>, vector<16xi32>,
    %get3A_709 = vector.shape_cast %get3A_708 : vector<16xi32> to vector<16xi32>
    %max3A_710 = arith.maxsi %get3A_709, %broadcast_in_dim3A_6 : vector<16xi32>
    %min3A_711 = arith.minsi %max3A_710, %get3A_5 : vector<16xi32>
    %swap3A_712 = arith.constant 1248 : index
    %swap3A_713 = tpu.vector_load %arg5[%swap3A_712] {strides = array<i32>} : memref<2048xi32, #tpu.memory_space<vmem>>, vector<16xi32>,
    %swap3A_714 = vector.shape_cast %swap3A_713 : vector<16xi32> to vector<16xi32>
    %swap3A_715 = vector.shape_cast %min3A_711 : vector<16xi32> to vector<16xi32>
    tpu.vector_store %arg5[%swap3A_712], %swap3A_715 {strides = array<i32>} : memref<2048xi32, #tpu.memory_space<vmem>>, vector<16xi32>,
    %get3A_716 = arith.constant 1264 : index
    %get3A_717 = tpu.vector_load %arg5[%get3A_716] {strides = array<i32>} : memref<2048xi32, #tpu.memory_space<vmem>>, vector<16xi32>,
    %get3A_718 = vector.shape_cast %get3A_717 : vector<16xi32> to vector<16xi32>
    %max3A_719 = arith.maxsi %get3A_718, %broadcast_in_dim3A_6 : vector<16xi32>
    %min3A_720 = arith.minsi %max3A_719, %get3A_5 : vector<16xi32>
    %swap3A_721 = arith.constant 1264 : index
    %swap3A_722 = tpu.vector_load %arg5[%swap3A_721] {strides = array<i32>} : memref<2048xi32, #tpu.memory_space<vmem>>, vector<16xi32>,
    %swap3A_723 = vector.shape_cast %swap3A_722 : vector<16xi32> to vector<16xi32>
    %swap3A_724 = vector.shape_cast %min3A_720 : vector<16xi32> to vector<16xi32>
    tpu.vector_store %arg5[%swap3A_721], %swap3A_724 {strides = array<i32>} : memref<2048xi32, #tpu.memory_space<vmem>>, vector<16xi32>,
    %get3A_725 = arith.constant 1280 : index
    %get3A_726 = tpu.vector_load %arg5[%get3A_725] {strides = array<i32>} : memref<2048xi32, #tpu.memory_space<vmem>>, vector<16xi32>,
    %get3A_727 = vector.shape_cast %get3A_726 : vector<16xi32> to vector<16xi32>
    %max3A_728 = arith.maxsi %get3A_727, %broadcast_in_dim3A_6 : vector<16xi32>
    %min3A_729 = arith.minsi %max3A_728, %get3A_5 : vector<16xi32>
    %swap3A_730 = arith.constant 1280 : index
    %swap3A_731 = tpu.vector_load %arg5[%swap3A_730] {strides = array<i32>} : memref<2048xi32, #tpu.memory_space<vmem>>, vector<16xi32>,
    %swap3A_732 = vector.shape_cast %swap3A_731 : vector<16xi32> to vector<16xi32>
    %swap3A_733 = vector.shape_cast %min3A_729 : vector<16xi32> to vector<16xi32>
    tpu.vector_store %arg5[%swap3A_730], %swap3A_733 {strides = array<i32>} : memref<2048xi32, #tpu.memory_space<vmem>>, vector<16xi32>,
    %get3A_734 = arith.constant 1296 : index
    %get3A_735 = tpu.vector_load %arg5[%get3A_734] {strides = array<i32>} : memref<2048xi32, #tpu.memory_space<vmem>>, vector<16xi32>,
    %get3A_736 = vector.shape_cast %get3A_735 : vector<16xi32> to vector<16xi32>
    %max3A_737 = arith.maxsi %get3A_736, %broadcast_in_dim3A_6 : vector<16xi32>
    %min3A_738 = arith.minsi %max3A_737, %get3A_5 : vector<16xi32>
    %swap3A_739 = arith.constant 1296 : index
    %swap3A_740 = tpu.vector_load %arg5[%swap3A_739] {strides = array<i32>} : memref<2048xi32, #tpu.memory_space<vmem>>, vector<16xi32>,
    %swap3A_741 = vector.shape_cast %swap3A_740 : vector<16xi32> to vector<16xi32>
    %swap3A_742 = vector.shape_cast %min3A_738 : vector<16xi32> to vector<16xi32>
    tpu.vector_store %arg5[%swap3A_739], %swap3A_742 {strides = array<i32>} : memref<2048xi32, #tpu.memory_space<vmem>>, vector<16xi32>,
    %get3A_743 = arith.constant 1312 : index
    %get3A_744 = tpu.vector_load %arg5[%get3A_743] {strides = array<i32>} : memref<2048xi32, #tpu.memory_space<vmem>>, vector<16xi32>,
    %get3A_745 = vector.shape_cast %get3A_744 : vector<16xi32> to vector<16xi32>
    %max3A_746 = arith.maxsi %get3A_745, %broadcast_in_dim3A_6 : vector<16xi32>
    %min3A_747 = arith.minsi %max3A_746, %get3A_5 : vector<16xi32>
    %swap3A_748 = arith.constant 1312 : index
    %swap3A_749 = tpu.vector_load %arg5[%swap3A_748] {strides = array<i32>} : memref<2048xi32, #tpu.memory_space<vmem>>, vector<16xi32>,
    %swap3A_750 = vector.shape_cast %swap3A_749 : vector<16xi32> to vector<16xi32>
    %swap3A_751 = vector.shape_cast %min3A_747 : vector<16xi32> to vector<16xi32>
    tpu.vector_store %arg5[%swap3A_748], %swap3A_751 {strides = array<i32>} : memref<2048xi32, #tpu.memory_space<vmem>>, vector<16xi32>,
    %get3A_752 = arith.constant 1328 : index
    %get3A_753 = tpu.vector_load %arg5[%get3A_752] {strides = array<i32>} : memref<2048xi32, #tpu.memory_space<vmem>>, vector<16xi32>,
    %get3A_754 = vector.shape_cast %get3A_753 : vector<16xi32> to vector<16xi32>
    %max3A_755 = arith.maxsi %get3A_754, %broadcast_in_dim3A_6 : vector<16xi32>
    %min3A_756 = arith.minsi %max3A_755, %get3A_5 : vector<16xi32>
    %swap3A_757 = arith.constant 1328 : index
    %swap3A_758 = tpu.vector_load %arg5[%swap3A_757] {strides = array<i32>} : memref<2048xi32, #tpu.memory_space<vmem>>, vector<16xi32>,
    %swap3A_759 = vector.shape_cast %swap3A_758 : vector<16xi32> to vector<16xi32>
    %swap3A_760 = vector.shape_cast %min3A_756 : vector<16xi32> to vector<16xi32>
    tpu.vector_store %arg5[%swap3A_757], %swap3A_760 {strides = array<i32>} : memref<2048xi32, #tpu.memory_space<vmem>>, vector<16xi32>,
    %get3A_761 = arith.constant 1344 : index
    %get3A_762 = tpu.vector_load %arg5[%get3A_761] {strides = array<i32>} : memref<2048xi32, #tpu.memory_space<vmem>>, vector<16xi32>,
    %get3A_763 = vector.shape_cast %get3A_762 : vector<16xi32> to vector<16xi32>
    %max3A_764 = arith.maxsi %get3A_763, %broadcast_in_dim3A_6 : vector<16xi32>
    %min3A_765 = arith.minsi %max3A_764, %get3A_5 : vector<16xi32>
    %swap3A_766 = arith.constant 1344 : index
    %swap3A_767 = tpu.vector_load %arg5[%swap3A_766] {strides = array<i32>} : memref<2048xi32, #tpu.memory_space<vmem>>, vector<16xi32>,
    %swap3A_768 = vector.shape_cast %swap3A_767 : vector<16xi32> to vector<16xi32>
    %swap3A_769 = vector.shape_cast %min3A_765 : vector<16xi32> to vector<16xi32>
    tpu.vector_store %arg5[%swap3A_766], %swap3A_769 {strides = array<i32>} : memref<2048xi32, #tpu.memory_space<vmem>>, vector<16xi32>,
    %get3A_770 = arith.constant 1360 : index
    %get3A_771 = tpu.vector_load %arg5[%get3A_770] {strides = array<i32>} : memref<2048xi32, #tpu.memory_space<vmem>>, vector<16xi32>,
    %get3A_772 = vector.shape_cast %get3A_771 : vector<16xi32> to vector<16xi32>
    %max3A_773 = arith.maxsi %get3A_772, %broadcast_in_dim3A_6 : vector<16xi32>
    %min3A_774 = arith.minsi %max3A_773, %get3A_5 : vector<16xi32>
    %swap3A_775 = arith.constant 1360 : index
    %swap3A_776 = tpu.vector_load %arg5[%swap3A_775] {strides = array<i32>} : memref<2048xi32, #tpu.memory_space<vmem>>, vector<16xi32>,
    %swap3A_777 = vector.shape_cast %swap3A_776 : vector<16xi32> to vector<16xi32>
    %swap3A_778 = vector.shape_cast %min3A_774 : vector<16xi32> to vector<16xi32>
    tpu.vector_store %arg5[%swap3A_775], %swap3A_778 {strides = array<i32>} : memref<2048xi32, #tpu.memory_space<vmem>>, vector<16xi32>,
    %get3A_779 = arith.constant 1376 : index
    %get3A_780 = tpu.vector_load %arg5[%get3A_779] {strides = array<i32>} : memref<2048xi32, #tpu.memory_space<vmem>>, vector<16xi32>,
    %get3A_781 = vector.shape_cast %get3A_780 : vector<16xi32> to vector<16xi32>
    %max3A_782 = arith.maxsi %get3A_781, %broadcast_in_dim3A_6 : vector<16xi32>
    %min3A_783 = arith.minsi %max3A_782, %get3A_5 : vector<16xi32>
    %swap3A_784 = arith.constant 1376 : index
    %swap3A_785 = tpu.vector_load %arg5[%swap3A_784] {strides = array<i32>} : memref<2048xi32, #tpu.memory_space<vmem>>, vector<16xi32>,
    %swap3A_786 = vector.shape_cast %swap3A_785 : vector<16xi32> to vector<16xi32>
    %swap3A_787 = vector.shape_cast %min3A_783 : vector<16xi32> to vector<16xi32>
    tpu.vector_store %arg5[%swap3A_784], %swap3A_787 {strides = array<i32>} : memref<2048xi32, #tpu.memory_space<vmem>>, vector<16xi32>,
    %get3A_788 = arith.constant 1392 : index
    %get3A_789 = tpu.vector_load %arg5[%get3A_788] {strides = array<i32>} : memref<2048xi32, #tpu.memory_space<vmem>>, vector<16xi32>,
    %get3A_790 = vector.shape_cast %get3A_789 : vector<16xi32> to vector<16xi32>
    %max3A_791 = arith.maxsi %get3A_790, %broadcast_in_dim3A_6 : vector<16xi32>
    %min3A_792 = arith.minsi %max3A_791, %get3A_5 : vector<16xi32>
    %swap3A_793 = arith.constant 1392 : index
    %swap3A_794 = tpu.vector_load %arg5[%swap3A_793] {strides = array<i32>} : memref<2048xi32, #tpu.memory_space<vmem>>, vector<16xi32>,
    %swap3A_795 = vector.shape_cast %swap3A_794 : vector<16xi32> to vector<16xi32>
    %swap3A_796 = vector.shape_cast %min3A_792 : vector<16xi32> to vector<16xi32>
    tpu.vector_store %arg5[%swap3A_793], %swap3A_796 {strides = array<i32>} : memref<2048xi32, #tpu.memory_space<vmem>>, vector<16xi32>,
    %get3A_797 = arith.constant 1408 : index
    %get3A_798 = tpu.vector_load %arg5[%get3A_797] {strides = array<i32>} : memref<2048xi32, #tpu.memory_space<vmem>>, vector<16xi32>,
    %get3A_799 = vector.shape_cast %get3A_798 : vector<16xi32> to vector<16xi32>
    %max3A_800 = arith.maxsi %get3A_799, %broadcast_in_dim3A_6 : vector<16xi32>
    %min3A_801 = arith.minsi %max3A_800, %get3A_5 : vector<16xi32>
    %swap3A_802 = arith.constant 1408 : index
    %swap3A_803 = tpu.vector_load %arg5[%swap3A_802] {strides = array<i32>} : memref<2048xi32, #tpu.memory_space<vmem>>, vector<16xi32>,
    %swap3A_804 = vector.shape_cast %swap3A_803 : vector<16xi32> to vector<16xi32>
    %swap3A_805 = vector.shape_cast %min3A_801 : vector<16xi32> to vector<16xi32>
    tpu.vector_store %arg5[%swap3A_802], %swap3A_805 {strides = array<i32>} : memref<2048xi32, #tpu.memory_space<vmem>>, vector<16xi32>,
    %get3A_806 = arith.constant 1424 : index
    %get3A_807 = tpu.vector_load %arg5[%get3A_806] {strides = array<i32>} : memref<2048xi32, #tpu.memory_space<vmem>>, vector<16xi32>,
    %get3A_808 = vector.shape_cast %get3A_807 : vector<16xi32> to vector<16xi32>
    %max3A_809 = arith.maxsi %get3A_808, %broadcast_in_dim3A_6 : vector<16xi32>
    %min3A_810 = arith.minsi %max3A_809, %get3A_5 : vector<16xi32>
    %swap3A_811 = arith.constant 1424 : index
    %swap3A_812 = tpu.vector_load %arg5[%swap3A_811] {strides = array<i32>} : memref<2048xi32, #tpu.memory_space<vmem>>, vector<16xi32>,
    %swap3A_813 = vector.shape_cast %swap3A_812 : vector<16xi32> to vector<16xi32>
    %swap3A_814 = vector.shape_cast %min3A_810 : vector<16xi32> to vector<16xi32>
    tpu.vector_store %arg5[%swap3A_811], %swap3A_814 {strides = array<i32>} : memref<2048xi32, #tpu.memory_space<vmem>>, vector<16xi32>,
    %get3A_815 = arith.constant 1440 : index
    %get3A_816 = tpu.vector_load %arg5[%get3A_815] {strides = array<i32>} : memref<2048xi32, #tpu.memory_space<vmem>>, vector<16xi32>,
    %get3A_817 = vector.shape_cast %get3A_816 : vector<16xi32> to vector<16xi32>
    %max3A_818 = arith.maxsi %get3A_817, %broadcast_in_dim3A_6 : vector<16xi32>
    %min3A_819 = arith.minsi %max3A_818, %get3A_5 : vector<16xi32>
    %swap3A_820 = arith.constant 1440 : index
    %swap3A_821 = tpu.vector_load %arg5[%swap3A_820] {strides = array<i32>} : memref<2048xi32, #tpu.memory_space<vmem>>, vector<16xi32>,
    %swap3A_822 = vector.shape_cast %swap3A_821 : vector<16xi32> to vector<16xi32>
    %swap3A_823 = vector.shape_cast %min3A_819 : vector<16xi32> to vector<16xi32>
    tpu.vector_store %arg5[%swap3A_820], %swap3A_823 {strides = array<i32>} : memref<2048xi32, #tpu.memory_space<vmem>>, vector<16xi32>,
    %get3A_824 = arith.constant 1456 : index
    %get3A_825 = tpu.vector_load %arg5[%get3A_824] {strides = array<i32>} : memref<2048xi32, #tpu.memory_space<vmem>>, vector<16xi32>,
    %get3A_826 = vector.shape_cast %get3A_825 : vector<16xi32> to vector<16xi32>
    %max3A_827 = arith.maxsi %get3A_826, %broadcast_in_dim3A_6 : vector<16xi32>
    %min3A_828 = arith.minsi %max3A_827, %get3A_5 : vector<16xi32>
    %swap3A_829 = arith.constant 1456 : index
    %swap3A_830 = tpu.vector_load %arg5[%swap3A_829] {strides = array<i32>} : memref<2048xi32, #tpu.memory_space<vmem>>, vector<16xi32>,
    %swap3A_831 = vector.shape_cast %swap3A_830 : vector<16xi32> to vector<16xi32>
    %swap3A_832 = vector.shape_cast %min3A_828 : vector<16xi32> to vector<16xi32>
    tpu.vector_store %arg5[%swap3A_829], %swap3A_832 {strides = array<i32>} : memref<2048xi32, #tpu.memory_space<vmem>>, vector<16xi32>,
    %get3A_833 = arith.constant 1472 : index
    %get3A_834 = tpu.vector_load %arg5[%get3A_833] {strides = array<i32>} : memref<2048xi32, #tpu.memory_space<vmem>>, vector<16xi32>,
    %get3A_835 = vector.shape_cast %get3A_834 : vector<16xi32> to vector<16xi32>
    %max3A_836 = arith.maxsi %get3A_835, %broadcast_in_dim3A_6 : vector<16xi32>
    %min3A_837 = arith.minsi %max3A_836, %get3A_5 : vector<16xi32>
    %swap3A_838 = arith.constant 1472 : index
    %swap3A_839 = tpu.vector_load %arg5[%swap3A_838] {strides = array<i32>} : memref<2048xi32, #tpu.memory_space<vmem>>, vector<16xi32>,
    %swap3A_840 = vector.shape_cast %swap3A_839 : vector<16xi32> to vector<16xi32>
    %swap3A_841 = vector.shape_cast %min3A_837 : vector<16xi32> to vector<16xi32>
    tpu.vector_store %arg5[%swap3A_838], %swap3A_841 {strides = array<i32>} : memref<2048xi32, #tpu.memory_space<vmem>>, vector<16xi32>,
    %get3A_842 = arith.constant 1488 : index
    %get3A_843 = tpu.vector_load %arg5[%get3A_842] {strides = array<i32>} : memref<2048xi32, #tpu.memory_space<vmem>>, vector<16xi32>,
    %get3A_844 = vector.shape_cast %get3A_843 : vector<16xi32> to vector<16xi32>
    %max3A_845 = arith.maxsi %get3A_844, %broadcast_in_dim3A_6 : vector<16xi32>
    %min3A_846 = arith.minsi %max3A_845, %get3A_5 : vector<16xi32>
    %swap3A_847 = arith.constant 1488 : index
    %swap3A_848 = tpu.vector_load %arg5[%swap3A_847] {strides = array<i32>} : memref<2048xi32, #tpu.memory_space<vmem>>, vector<16xi32>,
    %swap3A_849 = vector.shape_cast %swap3A_848 : vector<16xi32> to vector<16xi32>
    %swap3A_850 = vector.shape_cast %min3A_846 : vector<16xi32> to vector<16xi32>
    tpu.vector_store %arg5[%swap3A_847], %swap3A_850 {strides = array<i32>} : memref<2048xi32, #tpu.memory_space<vmem>>, vector<16xi32>,
    %get3A_851 = arith.constant 1504 : index
    %get3A_852 = tpu.vector_load %arg5[%get3A_851] {strides = array<i32>} : memref<2048xi32, #tpu.memory_space<vmem>>, vector<16xi32>,
    %get3A_853 = vector.shape_cast %get3A_852 : vector<16xi32> to vector<16xi32>
    %max3A_854 = arith.maxsi %get3A_853, %broadcast_in_dim3A_6 : vector<16xi32>
    %min3A_855 = arith.minsi %max3A_854, %get3A_5 : vector<16xi32>
    %swap3A_856 = arith.constant 1504 : index
    %swap3A_857 = tpu.vector_load %arg5[%swap3A_856] {strides = array<i32>} : memref<2048xi32, #tpu.memory_space<vmem>>, vector<16xi32>,
    %swap3A_858 = vector.shape_cast %swap3A_857 : vector<16xi32> to vector<16xi32>
    %swap3A_859 = vector.shape_cast %min3A_855 : vector<16xi32> to vector<16xi32>
    tpu.vector_store %arg5[%swap3A_856], %swap3A_859 {strides = array<i32>} : memref<2048xi32, #tpu.memory_space<vmem>>, vector<16xi32>,
    %get3A_860 = arith.constant 1520 : index
    %get3A_861 = tpu.vector_load %arg5[%get3A_860] {strides = array<i32>} : memref<2048xi32, #tpu.memory_space<vmem>>, vector<16xi32>,
    %get3A_862 = vector.shape_cast %get3A_861 : vector<16xi32> to vector<16xi32>
    %max3A_863 = arith.maxsi %get3A_862, %broadcast_in_dim3A_6 : vector<16xi32>
    %min3A_864 = arith.minsi %max3A_863, %get3A_5 : vector<16xi32>
    %swap3A_865 = arith.constant 1520 : index
    %swap3A_866 = tpu.vector_load %arg5[%swap3A_865] {strides = array<i32>} : memref<2048xi32, #tpu.memory_space<vmem>>, vector<16xi32>,
    %swap3A_867 = vector.shape_cast %swap3A_866 : vector<16xi32> to vector<16xi32>
    %swap3A_868 = vector.shape_cast %min3A_864 : vector<16xi32> to vector<16xi32>
    tpu.vector_store %arg5[%swap3A_865], %swap3A_868 {strides = array<i32>} : memref<2048xi32, #tpu.memory_space<vmem>>, vector<16xi32>,
    %get3A_869 = arith.constant 1536 : index
    %get3A_870 = tpu.vector_load %arg5[%get3A_869] {strides = array<i32>} : memref<2048xi32, #tpu.memory_space<vmem>>, vector<16xi32>,
    %get3A_871 = vector.shape_cast %get3A_870 : vector<16xi32> to vector<16xi32>
    %max3A_872 = arith.maxsi %get3A_871, %broadcast_in_dim3A_6 : vector<16xi32>
    %min3A_873 = arith.minsi %max3A_872, %get3A_5 : vector<16xi32>
    %swap3A_874 = arith.constant 1536 : index
    %swap3A_875 = tpu.vector_load %arg5[%swap3A_874] {strides = array<i32>} : memref<2048xi32, #tpu.memory_space<vmem>>, vector<16xi32>,
    %swap3A_876 = vector.shape_cast %swap3A_875 : vector<16xi32> to vector<16xi32>
    %swap3A_877 = vector.shape_cast %min3A_873 : vector<16xi32> to vector<16xi32>
    tpu.vector_store %arg5[%swap3A_874], %swap3A_877 {strides = array<i32>} : memref<2048xi32, #tpu.memory_space<vmem>>, vector<16xi32>,
    %get3A_878 = arith.constant 1552 : index
    %get3A_879 = tpu.vector_load %arg5[%get3A_878] {strides = array<i32>} : memref<2048xi32, #tpu.memory_space<vmem>>, vector<16xi32>,
    %get3A_880 = vector.shape_cast %get3A_879 : vector<16xi32> to vector<16xi32>
    %max3A_881 = arith.maxsi %get3A_880, %broadcast_in_dim3A_6 : vector<16xi32>
    %min3A_882 = arith.minsi %max3A_881, %get3A_5 : vector<16xi32>
    %swap3A_883 = arith.constant 1552 : index
    %swap3A_884 = tpu.vector_load %arg5[%swap3A_883] {strides = array<i32>} : memref<2048xi32, #tpu.memory_space<vmem>>, vector<16xi32>,
    %swap3A_885 = vector.shape_cast %swap3A_884 : vector<16xi32> to vector<16xi32>
    %swap3A_886 = vector.shape_cast %min3A_882 : vector<16xi32> to vector<16xi32>
    tpu.vector_store %arg5[%swap3A_883], %swap3A_886 {strides = array<i32>} : memref<2048xi32, #tpu.memory_space<vmem>>, vector<16xi32>,
    %get3A_887 = arith.constant 1568 : index
    %get3A_888 = tpu.vector_load %arg5[%get3A_887] {strides = array<i32>} : memref<2048xi32, #tpu.memory_space<vmem>>, vector<16xi32>,
    %get3A_889 = vector.shape_cast %get3A_888 : vector<16xi32> to vector<16xi32>
    %max3A_890 = arith.maxsi %get3A_889, %broadcast_in_dim3A_6 : vector<16xi32>
    %min3A_891 = arith.minsi %max3A_890, %get3A_5 : vector<16xi32>
    %swap3A_892 = arith.constant 1568 : index
    %swap3A_893 = tpu.vector_load %arg5[%swap3A_892] {strides = array<i32>} : memref<2048xi32, #tpu.memory_space<vmem>>, vector<16xi32>,
    %swap3A_894 = vector.shape_cast %swap3A_893 : vector<16xi32> to vector<16xi32>
    %swap3A_895 = vector.shape_cast %min3A_891 : vector<16xi32> to vector<16xi32>
    tpu.vector_store %arg5[%swap3A_892], %swap3A_895 {strides = array<i32>} : memref<2048xi32, #tpu.memory_space<vmem>>, vector<16xi32>,
    %get3A_896 = arith.constant 1584 : index
    %get3A_897 = tpu.vector_load %arg5[%get3A_896] {strides = array<i32>} : memref<2048xi32, #tpu.memory_space<vmem>>, vector<16xi32>,
    %get3A_898 = vector.shape_cast %get3A_897 : vector<16xi32> to vector<16xi32>
    %max3A_899 = arith.maxsi %get3A_898, %broadcast_in_dim3A_6 : vector<16xi32>
    %min3A_900 = arith.minsi %max3A_899, %get3A_5 : vector<16xi32>
    %swap3A_901 = arith.constant 1584 : index
    %swap3A_902 = tpu.vector_load %arg5[%swap3A_901] {strides = array<i32>} : memref<2048xi32, #tpu.memory_space<vmem>>, vector<16xi32>,
    %swap3A_903 = vector.shape_cast %swap3A_902 : vector<16xi32> to vector<16xi32>
    %swap3A_904 = vector.shape_cast %min3A_900 : vector<16xi32> to vector<16xi32>
    tpu.vector_store %arg5[%swap3A_901], %swap3A_904 {strides = array<i32>} : memref<2048xi32, #tpu.memory_space<vmem>>, vector<16xi32>,
    %get3A_905 = arith.constant 1600 : index
    %get3A_906 = tpu.vector_load %arg5[%get3A_905] {strides = array<i32>} : memref<2048xi32, #tpu.memory_space<vmem>>, vector<16xi32>,
    %get3A_907 = vector.shape_cast %get3A_906 : vector<16xi32> to vector<16xi32>
    %max3A_908 = arith.maxsi %get3A_907, %broadcast_in_dim3A_6 : vector<16xi32>
    %min3A_909 = arith.minsi %max3A_908, %get3A_5 : vector<16xi32>
    %swap3A_910 = arith.constant 1600 : index
    %swap3A_911 = tpu.vector_load %arg5[%swap3A_910] {strides = array<i32>} : memref<2048xi32, #tpu.memory_space<vmem>>, vector<16xi32>,
    %swap3A_912 = vector.shape_cast %swap3A_911 : vector<16xi32> to vector<16xi32>
    %swap3A_913 = vector.shape_cast %min3A_909 : vector<16xi32> to vector<16xi32>
    tpu.vector_store %arg5[%swap3A_910], %swap3A_913 {strides = array<i32>} : memref<2048xi32, #tpu.memory_space<vmem>>, vector<16xi32>,
    %get3A_914 = arith.constant 1616 : index
    %get3A_915 = tpu.vector_load %arg5[%get3A_914] {strides = array<i32>} : memref<2048xi32, #tpu.memory_space<vmem>>, vector<16xi32>,
    %get3A_916 = vector.shape_cast %get3A_915 : vector<16xi32> to vector<16xi32>
    %max3A_917 = arith.maxsi %get3A_916, %broadcast_in_dim3A_6 : vector<16xi32>
    %min3A_918 = arith.minsi %max3A_917, %get3A_5 : vector<16xi32>
    %swap3A_919 = arith.constant 1616 : index
    %swap3A_920 = tpu.vector_load %arg5[%swap3A_919] {strides = array<i32>} : memref<2048xi32, #tpu.memory_space<vmem>>, vector<16xi32>,
    %swap3A_921 = vector.shape_cast %swap3A_920 : vector<16xi32> to vector<16xi32>
    %swap3A_922 = vector.shape_cast %min3A_918 : vector<16xi32> to vector<16xi32>
    tpu.vector_store %arg5[%swap3A_919], %swap3A_922 {strides = array<i32>} : memref<2048xi32, #tpu.memory_space<vmem>>, vector<16xi32>,
    %get3A_923 = arith.constant 1632 : index
    %get3A_924 = tpu.vector_load %arg5[%get3A_923] {strides = array<i32>} : memref<2048xi32, #tpu.memory_space<vmem>>, vector<16xi32>,
    %get3A_925 = vector.shape_cast %get3A_924 : vector<16xi32> to vector<16xi32>
    %max3A_926 = arith.maxsi %get3A_925, %broadcast_in_dim3A_6 : vector<16xi32>
    %min3A_927 = arith.minsi %max3A_926, %get3A_5 : vector<16xi32>
    %swap3A_928 = arith.constant 1632 : index
    %swap3A_929 = tpu.vector_load %arg5[%swap3A_928] {strides = array<i32>} : memref<2048xi32, #tpu.memory_space<vmem>>, vector<16xi32>,
    %swap3A_930 = vector.shape_cast %swap3A_929 : vector<16xi32> to vector<16xi32>
    %swap3A_931 = vector.shape_cast %min3A_927 : vector<16xi32> to vector<16xi32>
    tpu.vector_store %arg5[%swap3A_928], %swap3A_931 {strides = array<i32>} : memref<2048xi32, #tpu.memory_space<vmem>>, vector<16xi32>,
    %get3A_932 = arith.constant 1648 : index
    %get3A_933 = tpu.vector_load %arg5[%get3A_932] {strides = array<i32>} : memref<2048xi32, #tpu.memory_space<vmem>>, vector<16xi32>,
    %get3A_934 = vector.shape_cast %get3A_933 : vector<16xi32> to vector<16xi32>
    %max3A_935 = arith.maxsi %get3A_934, %broadcast_in_dim3A_6 : vector<16xi32>
    %min3A_936 = arith.minsi %max3A_935, %get3A_5 : vector<16xi32>
    %swap3A_937 = arith.constant 1648 : index
    %swap3A_938 = tpu.vector_load %arg5[%swap3A_937] {strides = array<i32>} : memref<2048xi32, #tpu.memory_space<vmem>>, vector<16xi32>,
    %swap3A_939 = vector.shape_cast %swap3A_938 : vector<16xi32> to vector<16xi32>
    %swap3A_940 = vector.shape_cast %min3A_936 : vector<16xi32> to vector<16xi32>
    tpu.vector_store %arg5[%swap3A_937], %swap3A_940 {strides = array<i32>} : memref<2048xi32, #tpu.memory_space<vmem>>, vector<16xi32>,
    %get3A_941 = arith.constant 1664 : index
    %get3A_942 = tpu.vector_load %arg5[%get3A_941] {strides = array<i32>} : memref<2048xi32, #tpu.memory_space<vmem>>, vector<16xi32>,
    %get3A_943 = vector.shape_cast %get3A_942 : vector<16xi32> to vector<16xi32>
    %max3A_944 = arith.maxsi %get3A_943, %broadcast_in_dim3A_6 : vector<16xi32>
    %min3A_945 = arith.minsi %max3A_944, %get3A_5 : vector<16xi32>
    %swap3A_946 = arith.constant 1664 : index
    %swap3A_947 = tpu.vector_load %arg5[%swap3A_946] {strides = array<i32>} : memref<2048xi32, #tpu.memory_space<vmem>>, vector<16xi32>,
    %swap3A_948 = vector.shape_cast %swap3A_947 : vector<16xi32> to vector<16xi32>
    %swap3A_949 = vector.shape_cast %min3A_945 : vector<16xi32> to vector<16xi32>
    tpu.vector_store %arg5[%swap3A_946], %swap3A_949 {strides = array<i32>} : memref<2048xi32, #tpu.memory_space<vmem>>, vector<16xi32>,
    %get3A_950 = arith.constant 1680 : index
    %get3A_951 = tpu.vector_load %arg5[%get3A_950] {strides = array<i32>} : memref<2048xi32, #tpu.memory_space<vmem>>, vector<16xi32>,
    %get3A_952 = vector.shape_cast %get3A_951 : vector<16xi32> to vector<16xi32>
    %max3A_953 = arith.maxsi %get3A_952, %broadcast_in_dim3A_6 : vector<16xi32>
    %min3A_954 = arith.minsi %max3A_953, %get3A_5 : vector<16xi32>
    %swap3A_955 = arith.constant 1680 : index
    %swap3A_956 = tpu.vector_load %arg5[%swap3A_955] {strides = array<i32>} : memref<2048xi32, #tpu.memory_space<vmem>>, vector<16xi32>,
    %swap3A_957 = vector.shape_cast %swap3A_956 : vector<16xi32> to vector<16xi32>
    %swap3A_958 = vector.shape_cast %min3A_954 : vector<16xi32> to vector<16xi32>
    tpu.vector_store %arg5[%swap3A_955], %swap3A_958 {strides = array<i32>} : memref<2048xi32, #tpu.memory_space<vmem>>, vector<16xi32>,
    %get3A_959 = arith.constant 1696 : index
    %get3A_960 = tpu.vector_load %arg5[%get3A_959] {strides = array<i32>} : memref<2048xi32, #tpu.memory_space<vmem>>, vector<16xi32>,
    %get3A_961 = vector.shape_cast %get3A_960 : vector<16xi32> to vector<16xi32>
    %max3A_962 = arith.maxsi %get3A_961, %broadcast_in_dim3A_6 : vector<16xi32>
    %min3A_963 = arith.minsi %max3A_962, %get3A_5 : vector<16xi32>
    %swap3A_964 = arith.constant 1696 : index
    %swap3A_965 = tpu.vector_load %arg5[%swap3A_964] {strides = array<i32>} : memref<2048xi32, #tpu.memory_space<vmem>>, vector<16xi32>,
    %swap3A_966 = vector.shape_cast %swap3A_965 : vector<16xi32> to vector<16xi32>
    %swap3A_967 = vector.shape_cast %min3A_963 : vector<16xi32> to vector<16xi32>
    tpu.vector_store %arg5[%swap3A_964], %swap3A_967 {strides = array<i32>} : memref<2048xi32, #tpu.memory_space<vmem>>, vector<16xi32>,
    %get3A_968 = arith.constant 1712 : index
    %get3A_969 = tpu.vector_load %arg5[%get3A_968] {strides = array<i32>} : memref<2048xi32, #tpu.memory_space<vmem>>, vector<16xi32>,
    %get3A_970 = vector.shape_cast %get3A_969 : vector<16xi32> to vector<16xi32>
    %max3A_971 = arith.maxsi %get3A_970, %broadcast_in_dim3A_6 : vector<16xi32>
    %min3A_972 = arith.minsi %max3A_971, %get3A_5 : vector<16xi32>
    %swap3A_973 = arith.constant 1712 : index
    %swap3A_974 = tpu.vector_load %arg5[%swap3A_973] {strides = array<i32>} : memref<2048xi32, #tpu.memory_space<vmem>>, vector<16xi32>,
    %swap3A_975 = vector.shape_cast %swap3A_974 : vector<16xi32> to vector<16xi32>
    %swap3A_976 = vector.shape_cast %min3A_972 : vector<16xi32> to vector<16xi32>
    tpu.vector_store %arg5[%swap3A_973], %swap3A_976 {strides = array<i32>} : memref<2048xi32, #tpu.memory_space<vmem>>, vector<16xi32>,
    %get3A_977 = arith.constant 1728 : index
    %get3A_978 = tpu.vector_load %arg5[%get3A_977] {strides = array<i32>} : memref<2048xi32, #tpu.memory_space<vmem>>, vector<16xi32>,
    %get3A_979 = vector.shape_cast %get3A_978 : vector<16xi32> to vector<16xi32>
    %max3A_980 = arith.maxsi %get3A_979, %broadcast_in_dim3A_6 : vector<16xi32>
    %min3A_981 = arith.minsi %max3A_980, %get3A_5 : vector<16xi32>
    %swap3A_982 = arith.constant 1728 : index
    %swap3A_983 = tpu.vector_load %arg5[%swap3A_982] {strides = array<i32>} : memref<2048xi32, #tpu.memory_space<vmem>>, vector<16xi32>,
    %swap3A_984 = vector.shape_cast %swap3A_983 : vector<16xi32> to vector<16xi32>
    %swap3A_985 = vector.shape_cast %min3A_981 : vector<16xi32> to vector<16xi32>
    tpu.vector_store %arg5[%swap3A_982], %swap3A_985 {strides = array<i32>} : memref<2048xi32, #tpu.memory_space<vmem>>, vector<16xi32>,
    %get3A_986 = arith.constant 1744 : index
    %get3A_987 = tpu.vector_load %arg5[%get3A_986] {strides = array<i32>} : memref<2048xi32, #tpu.memory_space<vmem>>, vector<16xi32>,
    %get3A_988 = vector.shape_cast %get3A_987 : vector<16xi32> to vector<16xi32>
    %max3A_989 = arith.maxsi %get3A_988, %broadcast_in_dim3A_6 : vector<16xi32>
    %min3A_990 = arith.minsi %max3A_989, %get3A_5 : vector<16xi32>
    %swap3A_991 = arith.constant 1744 : index
    %swap3A_992 = tpu.vector_load %arg5[%swap3A_991] {strides = array<i32>} : memref<2048xi32, #tpu.memory_space<vmem>>, vector<16xi32>,
    %swap3A_993 = vector.shape_cast %swap3A_992 : vector<16xi32> to vector<16xi32>
    %swap3A_994 = vector.shape_cast %min3A_990 : vector<16xi32> to vector<16xi32>
    tpu.vector_store %arg5[%swap3A_991], %swap3A_994 {strides = array<i32>} : memref<2048xi32, #tpu.memory_space<vmem>>, vector<16xi32>,
    %get3A_995 = arith.constant 1760 : index
    %get3A_996 = tpu.vector_load %arg5[%get3A_995] {strides = array<i32>} : memref<2048xi32, #tpu.memory_space<vmem>>, vector<16xi32>,
    %get3A_997 = vector.shape_cast %get3A_996 : vector<16xi32> to vector<16xi32>
    %max3A_998 = arith.maxsi %get3A_997, %broadcast_in_dim3A_6 : vector<16xi32>
    %min3A_999 = arith.minsi %max3A_998, %get3A_5 : vector<16xi32>
    %swap3A_1000 = arith.constant 1760 : index
    %swap3A_1001 = tpu.vector_load %arg5[%swap3A_1000] {strides = array<i32>} : memref<2048xi32, #tpu.memory_space<vmem>>, vector<16xi32>,
    %swap3A_1002 = vector.shape_cast %swap3A_1001 : vector<16xi32> to vector<16xi32>
    %swap3A_1003 = vector.shape_cast %min3A_999 : vector<16xi32> to vector<16xi32>
    tpu.vector_store %arg5[%swap3A_1000], %swap3A_1003 {strides = array<i32>} : memref<2048xi32, #tpu.memory_space<vmem>>, vector<16xi32>,
    %get3A_1004 = arith.constant 1776 : index
    %get3A_1005 = tpu.vector_load %arg5[%get3A_1004] {strides = array<i32>} : memref<2048xi32, #tpu.memory_space<vmem>>, vector<16xi32>,
    %get3A_1006 = vector.shape_cast %get3A_1005 : vector<16xi32> to vector<16xi32>
    %max3A_1007 = arith.maxsi %get3A_1006, %broadcast_in_dim3A_6 : vector<16xi32>
    %min3A_1008 = arith.minsi %max3A_1007, %get3A_5 : vector<16xi32>
    %swap3A_1009 = arith.constant 1776 : index
    %swap3A_1010 = tpu.vector_load %arg5[%swap3A_1009] {strides = array<i32>} : memref<2048xi32, #tpu.memory_space<vmem>>, vector<16xi32>,
    %swap3A_1011 = vector.shape_cast %swap3A_1010 : vector<16xi32> to vector<16xi32>
    %swap3A_1012 = vector.shape_cast %min3A_1008 : vector<16xi32> to vector<16xi32>
    tpu.vector_store %arg5[%swap3A_1009], %swap3A_1012 {strides = array<i32>} : memref<2048xi32, #tpu.memory_space<vmem>>, vector<16xi32>,
    %get3A_1013 = arith.constant 1792 : index
    %get3A_1014 = tpu.vector_load %arg5[%get3A_1013] {strides = array<i32>} : memref<2048xi32, #tpu.memory_space<vmem>>, vector<16xi32>,
    %get3A_1015 = vector.shape_cast %get3A_1014 : vector<16xi32> to vector<16xi32>
    %max3A_1016 = arith.maxsi %get3A_1015, %broadcast_in_dim3A_6 : vector<16xi32>
    %min3A_1017 = arith.minsi %max3A_1016, %get3A_5 : vector<16xi32>
    %swap3A_1018 = arith.constant 1792 : index
    %swap3A_1019 = tpu.vector_load %arg5[%swap3A_1018] {strides = array<i32>} : memref<2048xi32, #tpu.memory_space<vmem>>, vector<16xi32>,
    %swap3A_1020 = vector.shape_cast %swap3A_1019 : vector<16xi32> to vector<16xi32>
    %swap3A_1021 = vector.shape_cast %min3A_1017 : vector<16xi32> to vector<16xi32>
    tpu.vector_store %arg5[%swap3A_1018], %swap3A_1021 {strides = array<i32>} : memref<2048xi32, #tpu.memory_space<vmem>>, vector<16xi32>,
    %get3A_1022 = arith.constant 1808 : index
    %get3A_1023 = tpu.vector_load %arg5[%get3A_1022] {strides = array<i32>} : memref<2048xi32, #tpu.memory_space<vmem>>, vector<16xi32>,
    %get3A_1024 = vector.shape_cast %get3A_1023 : vector<16xi32> to vector<16xi32>
    %max3A_1025 = arith.maxsi %get3A_1024, %broadcast_in_dim3A_6 : vector<16xi32>
    %min3A_1026 = arith.minsi %max3A_1025, %get3A_5 : vector<16xi32>
    %swap3A_1027 = arith.constant 1808 : index
    %swap3A_1028 = tpu.vector_load %arg5[%swap3A_1027] {strides = array<i32>} : memref<2048xi32, #tpu.memory_space<vmem>>, vector<16xi32>,
    %swap3A_1029 = vector.shape_cast %swap3A_1028 : vector<16xi32> to vector<16xi32>
    %swap3A_1030 = vector.shape_cast %min3A_1026 : vector<16xi32> to vector<16xi32>
    tpu.vector_store %arg5[%swap3A_1027], %swap3A_1030 {strides = array<i32>} : memref<2048xi32, #tpu.memory_space<vmem>>, vector<16xi32>,
    %get3A_1031 = arith.constant 1824 : index
    %get3A_1032 = tpu.vector_load %arg5[%get3A_1031] {strides = array<i32>} : memref<2048xi32, #tpu.memory_space<vmem>>, vector<16xi32>,
    %get3A_1033 = vector.shape_cast %get3A_1032 : vector<16xi32> to vector<16xi32>
    %max3A_1034 = arith.maxsi %get3A_1033, %broadcast_in_dim3A_6 : vector<16xi32>
    %min3A_1035 = arith.minsi %max3A_1034, %get3A_5 : vector<16xi32>
    %swap3A_1036 = arith.constant 1824 : index
    %swap3A_1037 = tpu.vector_load %arg5[%swap3A_1036] {strides = array<i32>} : memref<2048xi32, #tpu.memory_space<vmem>>, vector<16xi32>,
    %swap3A_1038 = vector.shape_cast %swap3A_1037 : vector<16xi32> to vector<16xi32>
    %swap3A_1039 = vector.shape_cast %min3A_1035 : vector<16xi32> to vector<16xi32>
    tpu.vector_store %arg5[%swap3A_1036], %swap3A_1039 {strides = array<i32>} : memref<2048xi32, #tpu.memory_space<vmem>>, vector<16xi32>,
    %get3A_1040 = arith.constant 1840 : index
    %get3A_1041 = tpu.vector_load %arg5[%get3A_1040] {strides = array<i32>} : memref<2048xi32, #tpu.memory_space<vmem>>, vector<16xi32>,
    %get3A_1042 = vector.shape_cast %get3A_1041 : vector<16xi32> to vector<16xi32>
    %max3A_1043 = arith.maxsi %get3A_1042, %broadcast_in_dim3A_6 : vector<16xi32>
    %min3A_1044 = arith.minsi %max3A_1043, %get3A_5 : vector<16xi32>
    %swap3A_1045 = arith.constant 1840 : index
    %swap3A_1046 = tpu.vector_load %arg5[%swap3A_1045] {strides = array<i32>} : memref<2048xi32, #tpu.memory_space<vmem>>, vector<16xi32>,
    %swap3A_1047 = vector.shape_cast %swap3A_1046 : vector<16xi32> to vector<16xi32>
    %swap3A_1048 = vector.shape_cast %min3A_1044 : vector<16xi32> to vector<16xi32>
    tpu.vector_store %arg5[%swap3A_1045], %swap3A_1048 {strides = array<i32>} : memref<2048xi32, #tpu.memory_space<vmem>>, vector<16xi32>,
    %get3A_1049 = arith.constant 1856 : index
    %get3A_1050 = tpu.vector_load %arg5[%get3A_1049] {strides = array<i32>} : memref<2048xi32, #tpu.memory_space<vmem>>, vector<16xi32>,
    %get3A_1051 = vector.shape_cast %get3A_1050 : vector<16xi32> to vector<16xi32>
    %max3A_1052 = arith.maxsi %get3A_1051, %broadcast_in_dim3A_6 : vector<16xi32>
    %min3A_1053 = arith.minsi %max3A_1052, %get3A_5 : vector<16xi32>
    %swap3A_1054 = arith.constant 1856 : index
    %swap3A_1055 = tpu.vector_load %arg5[%swap3A_1054] {strides = array<i32>} : memref<2048xi32, #tpu.memory_space<vmem>>, vector<16xi32>,
    %swap3A_1056 = vector.shape_cast %swap3A_1055 : vector<16xi32> to vector<16xi32>
    %swap3A_1057 = vector.shape_cast %min3A_1053 : vector<16xi32> to vector<16xi32>
    tpu.vector_store %arg5[%swap3A_1054], %swap3A_1057 {strides = array<i32>} : memref<2048xi32, #tpu.memory_space<vmem>>, vector<16xi32>,
    %get3A_1058 = arith.constant 1872 : index
    %get3A_1059 = tpu.vector_load %arg5[%get3A_1058] {strides = array<i32>} : memref<2048xi32, #tpu.memory_space<vmem>>, vector<16xi32>,
    %get3A_1060 = vector.shape_cast %get3A_1059 : vector<16xi32> to vector<16xi32>
    %max3A_1061 = arith.maxsi %get3A_1060, %broadcast_in_dim3A_6 : vector<16xi32>
    %min3A_1062 = arith.minsi %max3A_1061, %get3A_5 : vector<16xi32>
    %swap3A_1063 = arith.constant 1872 : index
    %swap3A_1064 = tpu.vector_load %arg5[%swap3A_1063] {strides = array<i32>} : memref<2048xi32, #tpu.memory_space<vmem>>, vector<16xi32>,
    %swap3A_1065 = vector.shape_cast %swap3A_1064 : vector<16xi32> to vector<16xi32>
    %swap3A_1066 = vector.shape_cast %min3A_1062 : vector<16xi32> to vector<16xi32>
    tpu.vector_store %arg5[%swap3A_1063], %swap3A_1066 {strides = array<i32>} : memref<2048xi32, #tpu.memory_space<vmem>>, vector<16xi32>,
    %get3A_1067 = arith.constant 1888 : index
    %get3A_1068 = tpu.vector_load %arg5[%get3A_1067] {strides = array<i32>} : memref<2048xi32, #tpu.memory_space<vmem>>, vector<16xi32>,
    %get3A_1069 = vector.shape_cast %get3A_1068 : vector<16xi32> to vector<16xi32>
    %max3A_1070 = arith.maxsi %get3A_1069, %broadcast_in_dim3A_6 : vector<16xi32>
    %min3A_1071 = arith.minsi %max3A_1070, %get3A_5 : vector<16xi32>
    %swap3A_1072 = arith.constant 1888 : index
    %swap3A_1073 = tpu.vector_load %arg5[%swap3A_1072] {strides = array<i32>} : memref<2048xi32, #tpu.memory_space<vmem>>, vector<16xi32>,
    %swap3A_1074 = vector.shape_cast %swap3A_1073 : vector<16xi32> to vector<16xi32>
    %swap3A_1075 = vector.shape_cast %min3A_1071 : vector<16xi32> to vector<16xi32>
    tpu.vector_store %arg5[%swap3A_1072], %swap3A_1075 {strides = array<i32>} : memref<2048xi32, #tpu.memory_space<vmem>>, vector<16xi32>,
    %get3A_1076 = arith.constant 1904 : index
    %get3A_1077 = tpu.vector_load %arg5[%get3A_1076] {strides = array<i32>} : memref<2048xi32, #tpu.memory_space<vmem>>, vector<16xi32>,
    %get3A_1078 = vector.shape_cast %get3A_1077 : vector<16xi32> to vector<16xi32>
    %max3A_1079 = arith.maxsi %get3A_1078, %broadcast_in_dim3A_6 : vector<16xi32>
    %min3A_1080 = arith.minsi %max3A_1079, %get3A_5 : vector<16xi32>
    %swap3A_1081 = arith.constant 1904 : index
    %swap3A_1082 = tpu.vector_load %arg5[%swap3A_1081] {strides = array<i32>} : memref<2048xi32, #tpu.memory_space<vmem>>, vector<16xi32>,
    %swap3A_1083 = vector.shape_cast %swap3A_1082 : vector<16xi32> to vector<16xi32>
    %swap3A_1084 = vector.shape_cast %min3A_1080 : vector<16xi32> to vector<16xi32>
    tpu.vector_store %arg5[%swap3A_1081], %swap3A_1084 {strides = array<i32>} : memref<2048xi32, #tpu.memory_space<vmem>>, vector<16xi32>,
    %get3A_1085 = arith.constant 1920 : index
    %get3A_1086 = tpu.vector_load %arg5[%get3A_1085] {strides = array<i32>} : memref<2048xi32, #tpu.memory_space<vmem>>, vector<16xi32>,
    %get3A_1087 = vector.shape_cast %get3A_1086 : vector<16xi32> to vector<16xi32>
    %max3A_1088 = arith.maxsi %get3A_1087, %broadcast_in_dim3A_6 : vector<16xi32>
    %min3A_1089 = arith.minsi %max3A_1088, %get3A_5 : vector<16xi32>
    %swap3A_1090 = arith.constant 1920 : index
    %swap3A_1091 = tpu.vector_load %arg5[%swap3A_1090] {strides = array<i32>} : memref<2048xi32, #tpu.memory_space<vmem>>, vector<16xi32>,
    %swap3A_1092 = vector.shape_cast %swap3A_1091 : vector<16xi32> to vector<16xi32>
    %swap3A_1093 = vector.shape_cast %min3A_1089 : vector<16xi32> to vector<16xi32>
    tpu.vector_store %arg5[%swap3A_1090], %swap3A_1093 {strides = array<i32>} : memref<2048xi32, #tpu.memory_space<vmem>>, vector<16xi32>,
    %get3A_1094 = arith.constant 1936 : index
    %get3A_1095 = tpu.vector_load %arg5[%get3A_1094] {strides = array<i32>} : memref<2048xi32, #tpu.memory_space<vmem>>, vector<16xi32>,
    %get3A_1096 = vector.shape_cast %get3A_1095 : vector<16xi32> to vector<16xi32>
    %max3A_1097 = arith.maxsi %get3A_1096, %broadcast_in_dim3A_6 : vector<16xi32>
    %min3A_1098 = arith.minsi %max3A_1097, %get3A_5 : vector<16xi32>
    %swap3A_1099 = arith.constant 1936 : index
    %swap3A_1100 = tpu.vector_load %arg5[%swap3A_1099] {strides = array<i32>} : memref<2048xi32, #tpu.memory_space<vmem>>, vector<16xi32>,
    %swap3A_1101 = vector.shape_cast %swap3A_1100 : vector<16xi32> to vector<16xi32>
    %swap3A_1102 = vector.shape_cast %min3A_1098 : vector<16xi32> to vector<16xi32>
    tpu.vector_store %arg5[%swap3A_1099], %swap3A_1102 {strides = array<i32>} : memref<2048xi32, #tpu.memory_space<vmem>>, vector<16xi32>,
    %get3A_1103 = arith.constant 1952 : index
    %get3A_1104 = tpu.vector_load %arg5[%get3A_1103] {strides = array<i32>} : memref<2048xi32, #tpu.memory_space<vmem>>, vector<16xi32>,
    %get3A_1105 = vector.shape_cast %get3A_1104 : vector<16xi32> to vector<16xi32>
    %max3A_1106 = arith.maxsi %get3A_1105, %broadcast_in_dim3A_6 : vector<16xi32>
    %min3A_1107 = arith.minsi %max3A_1106, %get3A_5 : vector<16xi32>
    %swap3A_1108 = arith.constant 1952 : index
    %swap3A_1109 = tpu.vector_load %arg5[%swap3A_1108] {strides = array<i32>} : memref<2048xi32, #tpu.memory_space<vmem>>, vector<16xi32>,
    %swap3A_1110 = vector.shape_cast %swap3A_1109 : vector<16xi32> to vector<16xi32>
    %swap3A_1111 = vector.shape_cast %min3A_1107 : vector<16xi32> to vector<16xi32>
    tpu.vector_store %arg5[%swap3A_1108], %swap3A_1111 {strides = array<i32>} : memref<2048xi32, #tpu.memory_space<vmem>>, vector<16xi32>,
    %get3A_1112 = arith.constant 1968 : index
    %get3A_1113 = tpu.vector_load %arg5[%get3A_1112] {strides = array<i32>} : memref<2048xi32, #tpu.memory_space<vmem>>, vector<16xi32>,
    %get3A_1114 = vector.shape_cast %get3A_1113 : vector<16xi32> to vector<16xi32>
    %max3A_1115 = arith.maxsi %get3A_1114, %broadcast_in_dim3A_6 : vector<16xi32>
    %min3A_1116 = arith.minsi %max3A_1115, %get3A_5 : vector<16xi32>
    %swap3A_1117 = arith.constant 1968 : index
    %swap3A_1118 = tpu.vector_load %arg5[%swap3A_1117] {strides = array<i32>} : memref<2048xi32, #tpu.memory_space<vmem>>, vector<16xi32>,
    %swap3A_1119 = vector.shape_cast %swap3A_1118 : vector<16xi32> to vector<16xi32>
    %swap3A_1120 = vector.shape_cast %min3A_1116 : vector<16xi32> to vector<16xi32>
    tpu.vector_store %arg5[%swap3A_1117], %swap3A_1120 {strides = array<i32>} : memref<2048xi32, #tpu.memory_space<vmem>>, vector<16xi32>,
    %get3A_1121 = arith.constant 1984 : index
    %get3A_1122 = tpu.vector_load %arg5[%get3A_1121] {strides = array<i32>} : memref<2048xi32, #tpu.memory_space<vmem>>, vector<16xi32>,
    %get3A_1123 = vector.shape_cast %get3A_1122 : vector<16xi32> to vector<16xi32>
    %max3A_1124 = arith.maxsi %get3A_1123, %broadcast_in_dim3A_6 : vector<16xi32>
    %min3A_1125 = arith.minsi %max3A_1124, %get3A_5 : vector<16xi32>
    %swap3A_1126 = arith.constant 1984 : index
    %swap3A_1127 = tpu.vector_load %arg5[%swap3A_1126] {strides = array<i32>} : memref<2048xi32, #tpu.memory_space<vmem>>, vector<16xi32>,
    %swap3A_1128 = vector.shape_cast %swap3A_1127 : vector<16xi32> to vector<16xi32>
    %swap3A_1129 = vector.shape_cast %min3A_1125 : vector<16xi32> to vector<16xi32>
    tpu.vector_store %arg5[%swap3A_1126], %swap3A_1129 {strides = array<i32>} : memref<2048xi32, #tpu.memory_space<vmem>>, vector<16xi32>,
    %get3A_1130 = arith.constant 2000 : index
    %get3A_1131 = tpu.vector_load %arg5[%get3A_1130] {strides = array<i32>} : memref<2048xi32, #tpu.memory_space<vmem>>, vector<16xi32>,
    %get3A_1132 = vector.shape_cast %get3A_1131 : vector<16xi32> to vector<16xi32>
    %max3A_1133 = arith.maxsi %get3A_1132, %broadcast_in_dim3A_6 : vector<16xi32>
    %min3A_1134 = arith.minsi %max3A_1133, %get3A_5 : vector<16xi32>
    %swap3A_1135 = arith.constant 2000 : index
    %swap3A_1136 = tpu.vector_load %arg5[%swap3A_1135] {strides = array<i32>} : memref<2048xi32, #tpu.memory_space<vmem>>, vector<16xi32>,
    %swap3A_1137 = vector.shape_cast %swap3A_1136 : vector<16xi32> to vector<16xi32>
    %swap3A_1138 = vector.shape_cast %min3A_1134 : vector<16xi32> to vector<16xi32>
    tpu.vector_store %arg5[%swap3A_1135], %swap3A_1138 {strides = array<i32>} : memref<2048xi32, #tpu.memory_space<vmem>>, vector<16xi32>,
    %get3A_1139 = arith.constant 2016 : index
    %get3A_1140 = tpu.vector_load %arg5[%get3A_1139] {strides = array<i32>} : memref<2048xi32, #tpu.memory_space<vmem>>, vector<16xi32>,
    %get3A_1141 = vector.shape_cast %get3A_1140 : vector<16xi32> to vector<16xi32>
    %max3A_1142 = arith.maxsi %get3A_1141, %broadcast_in_dim3A_6 : vector<16xi32>
    %min3A_1143 = arith.minsi %max3A_1142, %get3A_5 : vector<16xi32>
    %swap3A_1144 = arith.constant 2016 : index
    %swap3A_1145 = tpu.vector_load %arg5[%swap3A_1144] {strides = array<i32>} : memref<2048xi32, #tpu.memory_space<vmem>>, vector<16xi32>,
    %swap3A_1146 = vector.shape_cast %swap3A_1145 : vector<16xi32> to vector<16xi32>
    %swap3A_1147 = vector.shape_cast %min3A_1143 : vector<16xi32> to vector<16xi32>
    tpu.vector_store %arg5[%swap3A_1144], %swap3A_1147 {strides = array<i32>} : memref<2048xi32, #tpu.memory_space<vmem>>, vector<16xi32>,
    %get3A_1148 = arith.constant 2032 : index
    %get3A_1149 = tpu.vector_load %arg5[%get3A_1148] {strides = array<i32>} : memref<2048xi32, #tpu.memory_space<vmem>>, vector<16xi32>,
    %get3A_1150 = vector.shape_cast %get3A_1149 : vector<16xi32> to vector<16xi32>
    %max3A_1151 = arith.maxsi %get3A_1150, %broadcast_in_dim3A_6 : vector<16xi32>
    %min3A_1152 = arith.minsi %max3A_1151, %get3A_5 : vector<16xi32>
    %swap3A_1153 = arith.constant 2032 : index
    %swap3A_1154 = tpu.vector_load %arg5[%swap3A_1153] {strides = array<i32>} : memref<2048xi32, #tpu.memory_space<vmem>>, vector<16xi32>,
    %swap3A_1155 = vector.shape_cast %swap3A_1154 : vector<16xi32> to vector<16xi32>
    %swap3A_1156 = vector.shape_cast %min3A_1152 : vector<16xi32> to vector<16xi32>
    tpu.vector_store %arg5[%swap3A_1153], %swap3A_1156 {strides = array<i32>} : memref<2048xi32, #tpu.memory_space<vmem>>, vector<16xi32>,
    "tpu.region"() ({
      %run_scoped3A = tpu.sem_alloc : memref<!tpu.dma_semaphore, #tpu.memory_space<semaphore_mem>>
      %dma_start3A_1157 = tpu.memref_slice %arg4[%mul3A_2] : memref<32768xi32, #tpu.memory_space<hbm>> -> memref<2048xi32, #tpu.memory_space<hbm>>
      %dma_start3A_1158 = tpu.memref_slice %arg4[%mul3A_2] : memref<32768xi32, #tpu.memory_space<hbm>> -> memref<2048xi32, #tpu.memory_space<hbm>>
      tpu.enqueue_dma source(%arg5 : memref<2048xi32, #tpu.memory_space<vmem>>) target(%dma_start3A_1158 : memref<2048xi32, #tpu.memory_space<hbm>>) target_semaphore(%run_scoped3A : memref<!tpu.dma_semaphore, #tpu.memory_space<semaphore_mem>>)
      %dma_wait3A_1159 = tpu.memref_slice %arg4[%mul3A_2] : memref<32768xi32, #tpu.memory_space<hbm>> -> memref<2048xi32, #tpu.memory_space<hbm>>
      %dma_wait3A_1160 = tpu.memref_slice %arg4[%mul3A_2] : memref<32768xi32, #tpu.memory_space<hbm>> -> memref<2048xi32, #tpu.memory_space<hbm>>
      tpu.wait_dma2 semaphore(%run_scoped3A : memref<!tpu.dma_semaphore, #tpu.memory_space<semaphore_mem>>) src(%arg5 : memref<2048xi32, #tpu.memory_space<vmem>>) dst(%dma_wait3A_1160 : memref<2048xi32, #tpu.memory_space<hbm>>)
      tpu.yield
    }) : () -> ()
    return
  }
}

</mosaic_0001>

<sc_bundles>
// kernel: _clip_sc.3.cloned.1.call-start
scs
__scs_entry_jumppad:
0x0: {  	(pc) =	sbr.rel $0x88, $3  }
0x1: {  	(tag) =	ssettag $0x0;
	lr =	simm.s32 $0x1  }
0x2: {  	[smem:$0x3F9F] =	sst lr;
	_ =	strace $0xD0000000  }
0x3: {  	_ = 	snop  }
0x4: {  	_ = 	snop  }
0x5: {  	_ = 	snop  }
0x6: {  	_ = 	snop  }
0x7: {  	_ = 	snop  }
__scs_overlays_trampoline_lowered:
0x8: {  	[smem:$0x3FAE] =	sst s0  }
0x9: {  	[smem:$0x3FAF] =	sst s1  }
0xa: {  	[smem:$0x3FB0] =	sst s2  }
0xb: {  	[smem:$0x3FB1] =	sst s3  }
0xc: {  	[smem:$0x3FB2] =	sst s4  }
0xd: {  	[smem:$0x3FB3] =	sst s5  }
0xe: {  	[smem:$0x3FB4] =	sst s6  }
0xf: {  	[smem:$0x3FB5] =	sst s7  }
0x10: {  	[smem:$0x3FB6] =	sst s8  }
0x11: {  	[smem:$0x3FB7] =	sst s9;
	s0 =	simm.s32 @!p0 $0x0  }
0x12: {  	s1 =	sld [smem:$0x3F9D];
	s0 =	simm.s32 @p0 $0x1  }
0x13: {  	[smem:$0x3FB8] =	sst s0;
	s0 =	simm.s32 @!p1 $0x0  }
0x14: {  	s2 =	sld [smem:$0x3F9C];
	s0 =	simm.s32 @p1 $0x1  }
0x15: {  	[smem:$0x3FB9] =	sst s0;
	s0 =	simm.s32 @!p2 $0x0  }
0x16: {  	s3 =	sld [smem:$0x3FDB];
	s0 =	simm.s32 @p2 $0x1  }
0x17: {  	s4 =	simm.s32 $0x1BF5;
	[smem:$0x3FBB] =	sst s0  }
0x18: {  	s0 =	sld [smem:$0x3F9E];
	_ =	swait.ge [sflag:s4], $0x0  }
0x19: {  	s7 =	sld [smem:$0x3F9F]  }
0x1a: {  	s8 =	sadd.s32 $0xFFFFE003, lr  }
0x1b: {  	s9 =	sadd.s32 $0xFFFFFEF7, lr;
	s5 =	simm.s32 $0xFFFFFFFF;
	p2 =	slt.u32 s8, $0xFFFFF086  }
0x1c: {  	p1 =	slt.u32 s9, $0xF7A;
	s5 =	simm.s32 @!p2 $0x0  }
0x1d: {  	s5 =	simm.s32 @p1 $0x1;
	p0 =	seq.s32 s7, s2  }
0x1e: {  	s7 =	smul.u32 @!p0 $0xF7A, s2;
	p2 =	seq.s32 @!p0 s5, $0x0  }
0x1f: {  	s9 =	smul.u32 $0xF7A, s1;
	s8 =	simm.s32 @!p0 $0x1BF5;
	p2 =	por !p2, p0  }
0x20: {  	[sflag:s8] =	ssyncset.s32 @!p0 $0xFFFFF086;
	s6 =	sadd.s32 @!p0 s3, s7;
	s7 =	simm.s32 @!p0 $0x108  }
0x21: {  	s3 =	sadd.s32 s3, s9;
	s6 =	sadd.s32 @!p0 $0x88, s6;
	s7 =	simm.s32 @p2 $0x1082  }
0x22: {  	[simem:s7], [sflag:s8] =	dma.local @!p0 [hbm:s6], $0xF7A  }
0x23: {  	s9 =	sor.u32 $0xD0000000, s2;
	s6 =	simm.s32 $0x108;
	_ =	swait.ge @!p0 [sflag:s8], $0x0  }
0x24: {  	s3 =	sadd.s32 $0x88, s3;
	s6 =	simm.s32 @!p1 $0x1082;
	[sflag:s4] =	ssyncset.s32 $0xFFFFF086  }
0x25: {  	[simem:s6], [sflag:s4] =	dma.local [hbm:s3], $0xF7A  }
0x26: {  	[smem:$0x3F9F] =	sst s1;
	(tag) =	ssettag s2;
	_ =	strace s9  }
0x27: {  	s1 =	sld [smem:$0x3FAF]  }
0x28: {  	s2 =	sld [smem:$0x3FB0]  }
0x29: {  	s4 =	sld [smem:$0x3FB2]  }
0x2a: {  	p0 =	seq.s32 s5, $0x0;
	s5 =	sld [smem:$0x3FB3]  }
0x2b: {  	s6 =	sld [smem:$0x3FB4]  }
0x2c: {  	s7 =	sld [smem:$0x3FB5]  }
0x2d: {  	s3 =	simm.s32 $0x108;
	s8 =	sld [smem:$0x3FB6]  }
0x2e: {  	s3 =	simm.s32 @!p0 $0x1082;
	s9 =	sld [smem:$0x3FB7]  }
0x2f: {  	lr =	sadd.s32 s0, s3;
	s0 =	sld [smem:$0x3FAE]  }
0x30: {  	s3 =	sld [smem:$0x3FB1]  }
0x31: {  	[smem:$0x3FBA] =	sst s10  }
0x32: {  	s10 =	sld [smem:$0x3FB8];
	_ =	sdelay $0x3  }
0x33: {  	p0 =	seq.s32 s10, $0x1;
	s10 =	sld [smem:$0x3FBA];
	_ =	sdelay $0x3  }
0x34: {  	[smem:$0x3FBA] =	sst s10  }
0x35: {  	s10 =	sld [smem:$0x3FB9];
	_ =	sdelay $0x3  }
0x36: {  	p1 =	seq.s32 s10, $0x1;
	s10 =	sld [smem:$0x3FBA];
	_ =	sdelay $0x3  }
0x37: {  	[smem:$0x3FBA] =	sst s10  }
0x38: {  	s10 =	sld [smem:$0x3FBB]  }
0x39: {  	_ = 	snop;
	(pc) =	sbr.ind lr, $3  }
0x3a: {  	_ = 	snop  }
0x3b: {  	_ = 	snop  }
0x3c: {  	p2 =	seq.s32 s10, $0x1;
	s10 =	sld [smem:$0x3FBA]  }
0x3d: {  	_ =	shalt  }
0x3e: {  	_ =	shalt  }
0x3f: {  	_ =	shalt  }
0x40: {  	_ =	shalt  }
0x41: {  	_ =	shalt  }
0x42: {  	_ =	shalt  }
0x43: {  	_ =	shalt  }
0x44: {  	_ =	shalt  }
0x45: {  	_ =	shalt  }
0x46: {  	_ =	shalt  }
0x47: {  	_ =	shalt  }
0x48: {  	_ =	shalt  }
0x49: {  	_ =	shalt  }
0x4a: {  	_ =	shalt  }
0x4b: {  	_ =	shalt  }
0x4c: {  	_ =	shalt  }
0x4d: {  	_ =	shalt  }
0x4e: {  	_ =	shalt  }
0x4f: {  	_ =	shalt  }
0x50: {  	_ =	shalt  }
0x51: {  	_ =	shalt  }
0x52: {  	_ =	shalt  }
0x53: {  	_ =	shalt  }
0x54: {  	_ =	shalt  }
0x55: {  	_ =	shalt  }
0x56: {  	_ =	shalt  }
0x57: {  	_ =	shalt  }
0x58: {  	_ =	shalt  }
0x59: {  	_ =	shalt  }
0x5a: {  	_ =	shalt  }
0x5b: {  	_ =	shalt  }
0x5c: {  	_ =	shalt  }
0x5d: {  	_ =	shalt  }
0x5e: {  	_ =	shalt  }
0x5f: {  	_ =	shalt  }
0x60: {  	_ =	shalt  }
0x61: {  	_ =	shalt  }
0x62: {  	_ =	shalt  }
0x63: {  	_ =	shalt  }
0x64: {  	_ =	shalt  }
0x65: {  	_ =	shalt  }
0x66: {  	_ =	shalt  }
0x67: {  	_ =	shalt  }
0x68: {  	_ =	shalt  }
0x69: {  	_ =	shalt  }
0x6a: {  	_ =	shalt  }
0x6b: {  	_ =	shalt  }
0x6c: {  	_ =	shalt  }
0x6d: {  	_ =	shalt  }
0x6e: {  	_ =	shalt  }
0x6f: {  	_ =	shalt  }
0x70: {  	_ =	shalt  }
0x71: {  	_ =	shalt  }
0x72: {  	_ =	shalt  }
0x73: {  	_ =	shalt  }
0x74: {  	_ =	shalt  }
0x75: {  	_ =	shalt  }
0x76: {  	_ =	shalt  }
0x77: {  	_ =	shalt  }
0x78: {  	_ =	shalt  }
0x79: {  	_ =	shalt  }
0x7a: {  	_ =	shalt  }
0x7b: {  	_ =	shalt  }
0x7c: {  	_ =	shalt  }
0x7d: {  	_ =	shalt  }
0x7e: {  	_ =	shalt  }
0x7f: {  	_ =	shalt  }
0x80: {  	_ =	shalt  }
0x81: {  	_ =	shalt  }
0x82: {  	_ =	shalt  }
0x83: {  	_ =	shalt  }
0x84: {  	_ =	shalt  }
0x85: {  	_ =	shalt  }
0x86: {  	_ =	shalt  }
0x87: {  	_ =	shalt  }
.Lfunc_end0:
.L_simem_size_0:
called_computation_lowered:
.L_overlay_start_0:
0x88: {  	s0 =	sld [smem:$0x3FD9]  }
0x89: {  	s1 =	sld [smem:$0x3FFE];
	_ =	sdelay $0x3  }
0x8a: {  	s0 =	sadd.s32 s1, s0  }
0x8b: {  	[smem:$0x3FC6] =	sst s0  }
0x8c: {  	_ = 	snop  }
0x8d: {  	s0 =	sld [smem:$0x3FC9]  }
0x8e: {  	s17 =	sld [smem:$0x3FC8]  }
0x8f: {  	s2 =	sld [smem:$0x3FD0];
	(tm) =	ssettm $0x1  }
0x90: {  	s3 =	sld [smem:$0x3FFB];
	_ =	sdelay $0x3  }
0x91: {  	_ =	strace s3  }
0x92: {  	s3 =	sld [smem:$0x3FFC];
	_ =	sdelay $0x3  }
0x93: {  	_ =	strace s3  }
0x94: {  	s3 =	sld [smem:$0x3FFD];
	_ =	sdelay $0x3  }
0x95: {  	_ =	strace s3  }
0x96: {  	_ =	strace $0x8FFFFFFF  }
0x97: {  	s18 =	sld [smem:$0x3FDB];
	_ =	sdelay $0x1  }
0x98: {  	s4 =	simm.s32 $_scs_section_size  }
0x99: {  	s5 =	simm.s32 $_size__tile_overlayer_lowered;
	s6 =	simm.s32 $_tile_overlayer_lowered  }
0x9a: {  	s21 =	simm.s32 $0x1BFF;
	s20 =	sshll.u32 s6, $0x1;
	s3 =	sadd.s32 s4, s18  }
0x9b: {  	s7 =	simm.s32 $0x0;
	s19 =	sshll.u32 s5, $0x1;
	s5 =	sadd.s32 s20, s3  }
0x9c: {  	[timem:s7], [sflag:s21] =	dma.local [hbm:s5], s19  }
0x9d: {  	_ =	swait.ge [sflag:s21], s19  }
0x9e: {  	s4 =	ssub.s32 $0x0, s19;
	[sflag:s21] =	ssyncset.done $0x0  }
0x9f: {  	[sflag:s21] =	ssyncadd.s32 s4;
	_ =	sdelay $0x1  }
0xa0: {  	s22 =	simm.s32 $0x1B8B  }
0xa1: {  	_ =	swait.ge [sflag:s22], $0x1  }
0xa2: {  	[sflag:s22] =	ssyncset.done $0x0  }
0xa3: {  	s23 =	simm.s32 $0x1B8E;
	[sflag:s22] =	ssyncadd.s32 $0xFFFFFFFF  }
0xa4: {  	s24 =	simm.s32 $execute0_lowered;
	[smem:$0x3FD2] =	sst s23  }
0xa5: {  	s4 =	sshll.u32 s24, $0x1;
	_ =	strace $0x80000046;
	[dreg:$0x1] =	wrdreg $0xFFFFFFFF  }
0xa6: {  	s25 =	simm.s32 $_size_execute0_lowered;
	s3 =	sadd.s32 s3, s4;
	[dreg:$0x0] =	wrdreg $0x0  }
0xa7: {  	s4 =	sshll.u32 s25, $0x1;
	[dreg:$0x2] =	wrdreg s3  }
0xa8: {  	[dreg:$0x3] =	wrdreg s4  }
0xa9: {  	[dreg:$0x4] =	wrdreg $0xC0  }
0xaa: {  	_ =	task [dreg:s7], $0x5FFFF  }
0xab: {  	[dreg:$0x1] =	wrdreg $0xFFFFFFFF  }
0xac: {  	[dreg:$0x0] =	wrdreg $0x60  }
0xad: {  	[dreg:$0x2] =	wrdreg s0  }
0xae: {  	[dreg:$0x3] =	wrdreg s17  }
0xaf: {  	[dreg:$0x4] =	wrdreg s2  }
0xb0: {  	[dreg:$0x5] =	wrdreg $0x9  }
0xb1: {  	_ =	task.clear_ibuf [dreg:s7], $0x6FFFF;
	_ =	strace $0x90000046  }
0xb2: {  	s26 =	simm.s32 $0x9;
	_ =	strace $0x80000048  }
0xb3: {  	_ =	swait.ge [sflag:s26], $0x1  }
0xb4: {  	[sflag:s26] =	ssyncadd.s32 $0xFFFFFFFF  }
0xb5: {  	_ =	strace $0x90000048  }
0xb6: {  	_ =	sfence  }
0xb7: {  	s28 =	sld [smem:$0x0];
	_ =	sdelay $0x1  }
0xb8: {  	s29 =	srdreg.scid  }
0xb9: {  	s30 =	sshll.u32 s29, $0xD;
	s31 =	sshrl.u32 s29, $0x2  }
0xba: {  	s1 =	sand.u32 $0x1, s29;
	s2 =	sand.u32 $0x4000, s30;
	s0 =	sadd.s32 s31, s28  }
0xbb: {  	s1 =	sor.u32 s2, s1;
	s0 =	sshll.u32 s0, $0x11  }
0xbc: {  	s0 =	sor.u32 s0, s1  }
0xbd: {  	s0 =	sadd.s32 $0x8F2B, s0  }
0xbe: {  	[sflag:s0] =	ssyncadd.remote.s32 $0x1  }
0xbf: {  	_ =	sfence.sel $0xFFFF  }
0xc0: {  	[dreg:$0x0] =	wrdreg $0xFFFFFFFF;
	(pc) =	sbr.abs _section_cstart, $3  }
0xc1: {  	[dreg:$0x1] =	wrdreg $0xFFFFFFFF  }
0xc2: {  	_ =	task.clear_ibuf [dreg:s7], $0x2FFFF;
	_ =	strace $0x9FFFFFFF  }
0xc3: {  	(tm) =	ssettm $0x7FFFFFFF  }
tec
execute0_lowered:
.L_overlay_start_1:
0x0: {  	(tag) =	ssettag $0x1  }
0x1: {  	s5 =	rddreg [dreg:$0x0]  }
0x2: {  	s6 =	rddreg [dreg:$0x1]  }
0x3: {  	s2 =	rddreg [dreg:$0x2];
	s3 =	simm.s32 $0x0;
	s1 =	stileid.u32  }
0x4: {  	[smem:$0x7FF] =	sst s3;
	s4 =	sshll.u32 s1, $0x8  }
0x5: {  	s0 =	rddreg [dreg:$0x3];
	_ =	strace $0x80000047;
	s5 =	sadd.s32 s5, s4  }
0x6: {  	[tilespmem:s3], [sflag:$0x1] =	stream.linear.gather [hbm4b:s5+s3], $0x800, $0x38;
	[tilespmem:$0x880] =	vst v63  }
0x7: {  	s29 =	simm.s32 $0x800;
	s30 =	simm.s32 $0x2  }
0x8: {  	[tilespmem:s29], [sflag:$0x2] =	stream.linear.gather [hbm4b:s6+s3], $0x80, $0x38;
	[tilespmem:$0x880] =	vst v63  }
0x9: {  	_ =	swait.ge [sflag:s30], $0x80  }
0xa: {  	[sflag:s30] =	ssyncset.done $0x0  }
0xb: {  	s31 =	simm.s32 $0x1;
	[sflag:s30] =	ssyncadd.s32 $0xFFFFFF80  }
0xc: {  	v0 =	vld [tilespmem:$0x800];
	_ =	swait.ge [sflag:s31], $0x800  }
0xd: {  	[sflag:s31] =	ssyncset.done $0x0  }
0xe: {  	[sflag:s31] =	ssyncadd.s32 $0xFFFFF800  }
0xf: {  	v1 =	vld [tilespmem:$0x0]  }
0x10: {  	v2 =	vld [tilespmem:$0x10]  }
0x11: {  	v3 =	vld [tilespmem:$0x20]  }
0x12: {  	v4 =	vld [tilespmem:$0x30]  }
0x13: {  	v5 =	vld [tilespmem:$0x40]  }
0x14: {  	v7 =	vld [tilespmem:$0x50]  }
0x15: {  	v8 =	vld [tilespmem:$0x60]  }
0x16: {  	v10 =	vld [tilespmem:$0x70]  }
0x17: {  	v11 =	vld [tilespmem:$0x80]  }
0x18: {  	v12 =	vld [tilespmem:$0x90]  }
0x19: {  	v13 =	vld [tilespmem:$0xA0]  }
0x1a: {  	v14 =	vld [tilespmem:$0xB0]  }
0x1b: {  	v15 =	vld [tilespmem:$0xC0]  }
0x1c: {  	v61 =	vld [tilespmem:$0xD0]  }
0x1d: {  	v16 =	vld [tilespmem:$0xE0];
	vm0 =	vgt.s32 v1, $0x0;
	vm13 =	vgt.s32 v2, $0x0  }
0x1e: {  	v17 =	vld [tilespmem:$0xF0];
	vm14 =	vgt.s32 v3, $0x0;
	vm15 =	vgt.s32 v4, $0x0;
	vm4 =	vgt.s32 v5, $0x0  }
0x1f: {  	v19 =	vld [tilespmem:$0x100];
	vm6 =	vgt.s32 v7, $0x0;
	vm7 =	vgt.s32 v8, $0x0;
	vm8 =	vgt.s32 v10, $0x0  }
0x20: {  	v20 =	vld [tilespmem:$0x110];
	vm10 =	vgt.s32 v11, $0x0;
	vm11 =	vgt.s32 v12, $0x0;
	vm12 =	vgt.s32 v13, $0x0  }
0x21: {  	v21 =	vld [tilespmem:$0x120];
	v1 =	vnsel vm0, $0x0, v1;
	v6 =	vnsel vm13, $0x0, v2;
	v3 =	vnsel vm14, $0x0, v3  }
0x22: {  	v22 =	vld [tilespmem:$0x130];
	v4 =	vnsel vm15, $0x0, v4;
	v5 =	vnsel vm4, $0x0, v5;
	v57 =	vnsel vm6, $0x0, v7  }
0x23: {  	v23 =	vld [tilespmem:$0x140];
	v58 =	vnsel vm7, $0x0, v8;
	v59 =	vnsel vm8, $0x0, v10;
	v60 =	vnsel vm10, $0x0, v11  }
0x24: {  	v24 =	vld [tilespmem:$0x150];
	v62 =	vnsel vm11, $0x0, v12;
	v28 =	vnsel vm12, $0x0, v13;
	vm14 =	vgt.s32 v14, $0x0  }
0x25: {  	v35 =	vld [tilespmem:$0x160];
	vm15 =	vgt.s32 v15, $0x0;
	vm4 =	vgt.s32 v61, $0x0;
	vm6 =	vgt.s32 v16, $0x0  }
0x26: {  	v25 =	vld [tilespmem:$0x170];
	vm7 =	vgt.s32 v17, $0x0;
	vm8 =	vgt.s32 v19, $0x0;
	vm10 =	vgt.s32 v20, $0x0  }
0x27: {  	v26 =	vld [tilespmem:$0x180];
	vm11 =	vgt.s32 v21, $0x0;
	vm12 =	vgt.s32 v22, $0x0;
	vm1 =	vlt.s32 v1, v0  }
0x28: {  	v39 =	vld [tilespmem:$0x190];
	vm0 =	vlt.s32 v6, v0;
	vm5 =	vlt.s32 v4, v0;
	vm9 =	vlt.s32 v58, v0  }
0x29: {  	v40 =	vld [tilespmem:$0x1B0];
	vm13 =	vlt.s32 v62, v0;
	v29 =	vnsel vm14, $0x0, v14;
	v30 =	vnsel vm15, $0x0, v15  }
0x2a: {  	v11 =	vnsel vm4, $0x0, v61;
	v31 =	vnsel vm6, $0x0, v16;
	v32 =	vnsel vm7, $0x0, v17  }
0x2b: {  	v33 =	vnsel vm8, $0x0, v19;
	v34 =	vnsel vm10, $0x0, v20;
	v36 =	vnsel vm11, $0x0, v21  }
0x2c: {  	v37 =	vnsel vm12, $0x0, v22;
	vm14 =	vgt.s32 v23, $0x0;
	vm15 =	vgt.s32 v24, $0x0  }
0x2d: {  	vm4 =	vgt.s32 v35, $0x0;
	vm6 =	vgt.s32 v25, $0x0;
	vm7 =	vgt.s32 v26, $0x0  }
0x2e: {  	vm8 =	vgt.s32 v39, $0x0;
	vm11 =	vgt.s32 v40, $0x0;
	v52 =	vsel vm1, v1, v0  }
0x2f: {  	v53 =	vsel vm0, v6, v0;
	vm1 =	vlt.s32 v3, v0;
	v55 =	vsel vm5, v4, v0  }
0x30: {  	vm0 =	vlt.s32 v5, v0;
	v7 =	vsel vm9, v58, v0;
	v10 =	vsel vm13, v62, v0  }
0x31: {  	vm5 =	vlt.s32 v30, v0;
	vm9 =	vlt.s32 v32, v0;
	vm13 =	vlt.s32 v36, v0  }
0x32: {  	v38 =	vnsel vm14, $0x0, v23;
	v27 =	vnsel vm15, $0x0, v24;
	v20 =	vnsel vm4, $0x0, v35  }
0x33: {  	v25 =	vnsel vm6, $0x0, v25;
	v26 =	vnsel vm7, $0x0, v26;
	v23 =	vnsel vm8, $0x0, v39  }
0x34: {  	v54 =	vsel vm1, v3, v0;
	v56 =	vsel vm0, v5, v0;
	vm1 =	vlt.s32 v57, v0  }
0x35: {  	vm0 =	vlt.s32 v59, v0;
	v14 =	vsel vm5, v30, v0;
	v15 =	vsel vm9, v32, v0  }
0x36: {  	v19 =	vsel vm13, v36, v0;
	vm5 =	vlt.s32 v27, v0;
	vm9 =	vlt.s32 v26, v0  }
0x37: {  	v9 =	vsel vm1, v57, v0;
	v5 =	vsel vm0, v59, v0;
	vm1 =	vlt.s32 v60, v0  }
0x38: {  	v35 =	vld [tilespmem:$0x210];
	vm0 =	vlt.s32 v28, v0;
	v22 =	vsel vm5, v27, v0;
	v26 =	vsel vm9, v26, v0  }
0x39: {  	v32 =	vld [tilespmem:$0x1E0];
	v27 =	vnsel vm11, $0x0, v40;
	v63 =	vsel vm1, v60, v0;
	v8 =	vsel vm0, v28, v0  }
0x3a: {  	v36 =	vld [tilespmem:$0x220];
	vm1 =	vlt.s32 v29, v0;
	vm0 =	vlt.s32 v11, v0;
	vm13 =	vlt.s32 v27, v0  }
0x3b: {  	[tilespmem:$0x0] =	vst v52;
	v52 =	vld [tilespmem:$0x2A0];
	v13 =	vsel vm1, v29, v0;
	v11 =	vsel vm0, v11, v0;
	vm1 =	vlt.s32 v31, v0  }
0x3c: {  	vm0 =	vlt.s32 v33, v0;
	v27 =	vsel vm13, v27, v0;
	v18 =	vsel vm1, v31, v0  }
0x3d: {  	v48 =	vld [tilespmem:$0x270];
	v16 =	vsel vm0, v33, v0;
	vm1 =	vlt.s32 v34, v0;
	vm0 =	vlt.s32 v37, v0  }
0x3e: {  	[tilespmem:$0x20] =	vst v54;
	v54 =	vld [tilespmem:$0x2B0];
	vm7 =	vgt.s32 v35, $0x0;
	v21 =	vsel vm1, v34, v0;
	v17 =	vsel vm0, v37, v0  }
0x3f: {  	v28 =	vld [tilespmem:$0x1A0];
	vm1 =	vlt.s32 v38, v0;
	vm0 =	vlt.s32 v20, v0;
	vm15 =	vgt.s32 v32, $0x0  }
0x40: {  	v45 =	vld [tilespmem:$0x230];
	v35 =	vnsel vm7, $0x0, v35;
	vm8 =	vgt.s32 v36, $0x0;
	vm7 =	vgt.s32 v52, $0x0  }
0x41: {  	v29 =	vld [tilespmem:$0x1C0];
	v24 =	vsel vm1, v38, v0;
	v20 =	vsel vm0, v20, v0;
	vm1 =	vlt.s32 v25, v0  }
0x42: {  	[tilespmem:$0x80] =	vst v63;
	v63 =	vld [tilespmem:$0x300];
	vm0 =	vlt.s32 v23, v0;
	v43 =	vnsel vm15, $0x0, v32;
	vm9 =	vlt.s32 v35, v0  }
0x43: {  	v31 =	vld [tilespmem:$0x1D0];
	v46 =	vnsel vm8, $0x0, v36;
	vm15 =	vgt.s32 v48, $0x0;
	v60 =	vnsel vm7, $0x0, v52  }
0x44: {  	v33 =	vld [tilespmem:$0x1F0];
	vm8 =	vgt.s32 v54, $0x0;
	v25 =	vsel vm1, v25, v0;
	vm10 =	vgt.s32 v28, $0x0  }
0x45: {  	v47 =	vld [tilespmem:$0x260];
	v23 =	vsel vm0, v23, v0;
	vm5 =	vlt.s32 v43, v0;
	v1 =	vsel vm9, v35, v0  }
0x46: {  	v34 =	vld [tilespmem:$0x200];
	v35 =	vnsel vm15, $0x0, v48;
	vm9 =	vlt.s32 v60, v0;
	v61 =	vnsel vm8, $0x0, v54  }
0x47: {  	v37 =	vld [tilespmem:$0x240];
	v28 =	vnsel vm10, $0x0, v28;
	vm12 =	vgt.s32 v29, $0x0;
	vm10 =	vgt.s32 v45, $0x0  }
0x48: {  	v49 =	vld [tilespmem:$0x280];
	[tilespmem:$0xD0] =	vst v11;
	v11 =	vsel vm9, v60, v0;
	vm15 =	vgt.s32 v63, $0x0;
	vm1 =	vlt.s32 v28, v0  }
0x49: {  	[tilespmem:$0x40] =	vst v56;
	v56 =	vld [tilespmem:$0x2C0];
	v41 =	vnsel vm12, $0x0, v29;
	vm14 =	vgt.s32 v31, $0x0;
	vm4 =	vgt.s32 v33, $0x0  }
0x4a: {  	v51 =	vld [tilespmem:$0x290];
	v48 =	vnsel vm15, $0x0, v63;
	v30 =	vsel vm1, v28, v0;
	vm0 =	vlt.s32 v41, v0  }
0x4b: {  	v38 =	vld [tilespmem:$0x250];
	v42 =	vnsel vm14, $0x0, v31;
	v44 =	vnsel vm4, $0x0, v33;
	v31 =	vsel vm5, v43, v0  }
0x4c: {  	v62 =	vld [tilespmem:$0x2F0];
	vm6 =	vgt.s32 v34, $0x0;
	v33 =	vnsel vm10, $0x0, v45;
	vm11 =	vgt.s32 v37, $0x0  }
0x4d: {  	v57 =	vld [tilespmem:$0x2D0];
	vm14 =	vgt.s32 v47, $0x0;
	vm4 =	vgt.s32 v49, $0x0;
	vm5 =	vlt.s32 v35, v0  }
0x4e: {  	vm10 =	vgt.s32 v56, $0x0;
	v28 =	vsel vm0, v41, v0;
	vm1 =	vlt.s32 v42, v0  }
0x4f: {  	[tilespmem:$0x10] =	vst v53;
	vm0 =	vlt.s32 v44, v0;
	v34 =	vnsel vm6, $0x0, v34;
	v37 =	vnsel vm11, $0x0, v37  }
0x50: {  	[tilespmem:$0x30] =	vst v55;
	v59 =	vld [tilespmem:$0x2E0];
	vm12 =	vgt.s32 v38, $0x0;
	v53 =	vnsel vm14, $0x0, v47;
	v55 =	vnsel vm4, $0x0, v49  }
0x51: {  	[tilespmem:$0x50] =	vst v9;
	v54 =	vld [tilespmem:$0x390];
	v9 =	vsel vm5, v35, v0;
	vm6 =	vgt.s32 v51, $0x0;
	v40 =	vnsel vm10, $0x0, v56  }
0x52: {  	[tilespmem:$0x60] =	vst v7;
	vm11 =	vgt.s32 v57, $0x0;
	vm14 =	vgt.s32 v62, $0x0;
	vm5 =	vlt.s32 v48, v0  }
0x53: {  	[tilespmem:$0x90] =	vst v10;
	v32 =	vsel vm1, v42, v0;
	v29 =	vsel vm0, v44, v0;
	vm1 =	vlt.s32 v34, v0  }
0x54: {  	[tilespmem:$0xC0] =	vst v14;
	v36 =	vld [tilespmem:$0x420];
	vm0 =	vlt.s32 v46, v0;
	vm13 =	vlt.s32 v37, v0;
	v50 =	vnsel vm12, $0x0, v38  }
0x55: {  	[tilespmem:$0xF0] =	vst v15;
	v58 =	vnsel vm6, $0x0, v51;
	v42 =	vnsel vm11, $0x0, v57;
	vm12 =	vgt.s32 v59, $0x0  }
0x56: {  	[tilespmem:$0x130] =	vst v17;
	v17 =	vsel vm5, v48, v0;
	vm15 =	vgt.s32 v54, $0x0;
	v2 =	vsel vm1, v34, v0  }
0x57: {  	[tilespmem:$0x120] =	vst v19;
	v6 =	vsel vm0, v46, v0;
	vm1 =	vlt.s32 v33, v0;
	v4 =	vsel vm13, v37, v0  }
0x58: {  	[tilespmem:$0x70] =	vst v5;
	v45 =	vld [tilespmem:$0x330];
	vm0 =	vlt.s32 v50, v0;
	vm13 =	vlt.s32 v42, v0;
	v43 =	vnsel vm12, $0x0, v59  }
0x59: {  	[tilespmem:$0x190] =	vst v23;
	v41 =	vld [tilespmem:$0x310];
	v46 =	vnsel vm14, $0x0, v62;
	v23 =	vnsel vm15, $0x0, v54;
	vm15 =	vgt.s32 v36, $0x0  }
0x5a: {  	[tilespmem:$0x150] =	vst v22;
	v47 =	vld [tilespmem:$0x340];
	v3 =	vsel vm1, v33, v0;
	v7 =	vsel vm0, v50, v0;
	vm1 =	vlt.s32 v53, v0  }
0x5b: {  	[tilespmem:$0x180] =	vst v26;
	v49 =	vld [tilespmem:$0x350];
	vm0 =	vlt.s32 v55, v0;
	v14 =	vsel vm13, v42, v0;
	vm5 =	vlt.s32 v23, v0  }
0x5c: {  	[tilespmem:$0xA0] =	vst v8;
	v60 =	vld [tilespmem:$0x3E0];
	v5 =	vsel vm1, v53, v0;
	v8 =	vsel vm0, v55, v0;
	vm1 =	vlt.s32 v58, v0  }
0x5d: {  	[tilespmem:$0x210] =	vst v1;
	v44 =	vld [tilespmem:$0x320];
	vm0 =	vlt.s32 v61, v0;
	vm7 =	vgt.s32 v45, $0x0;
	v1 =	vsel vm5, v23, v0  }
0x5e: {  	v51 =	vld [tilespmem:$0x370];
	[tilespmem:$0x250] =	vst v7;
	v7 =	vnsel vm15, $0x0, v36;
	v10 =	vsel vm1, v58, v0;
	v12 =	vsel vm0, v61, v0  }
0x5f: {  	[tilespmem:$0xB0] =	vst v13;
	v57 =	vld [tilespmem:$0x3C0];
	vm1 =	vlt.s32 v40, v0;
	vm0 =	vlt.s32 v43, v0;
	vm4 =	vgt.s32 v41, $0x0  }
0x60: {  	[tilespmem:$0x110] =	vst v21;
	v21 =	vnsel vm7, $0x0, v45;
	vm8 =	vgt.s32 v47, $0x0;
	vm10 =	vgt.s32 v49, $0x0  }
0x61: {  	[tilespmem:$0x1B0] =	vst v27;
	vm5 =	vlt.s32 v7, v0;
	v13 =	vsel vm1, v40, v0;
	v15 =	vsel vm0, v43, v0  }
0x62: {  	[tilespmem:$0xE0] =	vst v18;
	v56 =	vld [tilespmem:$0x3B0];
	vm1 =	vlt.s32 v46, v0;
	v18 =	vnsel vm4, $0x0, v41;
	vm6 =	vgt.s32 v44, $0x0  }
0x63: {  	[tilespmem:$0x140] =	vst v24;
	v63 =	vld [tilespmem:$0x400];
	vm9 =	vlt.s32 v21, v0;
	v52 =	vnsel vm8, $0x0, v47;
	v24 =	vnsel vm10, $0x0, v49  }
0x64: {  	[tilespmem:$0x100] =	vst v16;
	v50 =	vld [tilespmem:$0x360];
	vm12 =	vgt.s32 v51, $0x0;
	vm7 =	vgt.s32 v57, $0x0;
	vm10 =	vgt.s32 v60, $0x0  }
0x65: {  	[tilespmem:$0x160] =	vst v20;
	v42 =	vld [tilespmem:$0x440];
	v7 =	vsel vm5, v7, v0;
	v19 =	vsel vm1, v46, v0;
	vm0 =	vlt.s32 v18, v0  }
0x66: {  	[tilespmem:$0x170] =	vst v25;
	v35 =	vld [tilespmem:$0x410];
	v16 =	vnsel vm6, $0x0, v44;
	v21 =	vsel vm9, v21, v0;
	v20 =	vnsel vm12, $0x0, v51  }
0x67: {  	[tilespmem:$0x1D0] =	vst v32;
	v53 =	vld [tilespmem:$0x380];
	vm6 =	vgt.s32 v56, $0x0;
	v32 =	vnsel vm7, $0x0, v57;
	v37 =	vnsel vm10, $0x0, v60  }
0x68: {  	[tilespmem:$0x2A0] =	vst v11;
	v55 =	vld [tilespmem:$0x3A0];
	vm12 =	vgt.s32 v63, $0x0;
	v18 =	vsel vm0, v18, v0;
	vm1 =	vlt.s32 v16, v0  }
0x69: {  	[tilespmem:$0x1A0] =	vst v30;
	v38 =	vld [tilespmem:$0x430];
	vm0 =	vlt.s32 v52, v0;
	vm11 =	vgt.s32 v50, $0x0;
	v62 =	vnsel vm6, $0x0, v56  }
0x6a: {  	[tilespmem:$0x1E0] =	vst v31;
	v58 =	vld [tilespmem:$0x3D0];
	vm9 =	vlt.s32 v32, v0;
	v41 =	vnsel vm12, $0x0, v63;
	vm6 =	vgt.s32 v42, $0x0  }
0x6b: {  	[tilespmem:$0x1C0] =	vst v28;
	v61 =	vld [tilespmem:$0x3F0];
	v16 =	vsel vm1, v16, v0;
	v25 =	vsel vm0, v52, v0;
	vm1 =	vlt.s32 v24, v0  }
0x6c: {  	[tilespmem:$0x270] =	vst v9;
	v22 =	vnsel vm11, $0x0, v50;
	vm0 =	vlt.s32 v20, v0;
	vm14 =	vgt.s32 v53, $0x0  }
0x6d: {  	[tilespmem:$0x230] =	vst v3;
	v43 =	vld [tilespmem:$0x450];
	vm4 =	vgt.s32 v55, $0x0;
	v3 =	vsel vm9, v32, v0;
	v51 =	vnsel vm6, $0x0, v42  }
0x6e: {  	[tilespmem:$0x1F0] =	vst v29;
	v49 =	vld [tilespmem:$0x470];
	v24 =	vsel vm1, v24, v0;
	vm13 =	vlt.s32 v22, v0;
	v20 =	vsel vm0, v20, v0  }
0x6f: {  	[tilespmem:$0x300] =	vst v17;
	v54 =	vld [tilespmem:$0x4A0];
	v26 =	vnsel vm14, $0x0, v53;
	v59 =	vnsel vm4, $0x0, v55;
	vm8 =	vgt.s32 v58, $0x0  }
0x70: {  	v27 =	vld [tilespmem:$0x500];
	[tilespmem:$0x200] =	vst v2;
	vm11 =	vgt.s32 v61, $0x0;
	vm14 =	vgt.s32 v35, $0x0;
	vm4 =	vgt.s32 v38, $0x0  }
0x71: {  	[tilespmem:$0x220] =	vst v6;
	v46 =	vld [tilespmem:$0x460];
	v22 =	vsel vm13, v22, v0;
	vm1 =	vlt.s32 v26, v0;
	vm0 =	vlt.s32 v59, v0  }
0x72: {  	[tilespmem:$0x240] =	vst v4;
	v60 =	vld [tilespmem:$0x4D0];
	v34 =	vnsel vm8, $0x0, v58;
	v39 =	vnsel vm11, $0x0, v61;
	v45 =	vnsel vm14, $0x0, v35  }
0x73: {  	[tilespmem:$0x2D0] =	vst v14;
	v36 =	vld [tilespmem:$0x530];
	v48 =	vnsel vm4, $0x0, v38;
	vm7 =	vgt.s32 v43, $0x0;
	vm10 =	vgt.s32 v49, $0x0  }
0x74: {  	[tilespmem:$0x260] =	vst v5;
	vm14 =	vgt.s32 v54, $0x0;
	v2 =	vsel vm1, v26, v0;
	v6 =	vsel vm0, v59, v0  }
0x75: {  	[tilespmem:$0x280] =	vst v8;
	vm1 =	vlt.s32 v62, v0;
	vm0 =	vlt.s32 v34, v0;
	vm13 =	vlt.s32 v39, v0  }
0x76: {  	[tilespmem:$0x290] =	vst v10;
	v10 =	vnsel vm7, $0x0, v43;
	vm8 =	vgt.s32 v46, $0x0;
	v57 =	vnsel vm10, $0x0, v49  }
0x77: {  	[tilespmem:$0x2F0] =	vst v19;
	v50 =	vld [tilespmem:$0x480];
	v19 =	vnsel vm14, $0x0, v54;
	vm6 =	vgt.s32 v60, $0x0;
	vm10 =	vgt.s32 v27, $0x0  }
0x78: {  	[tilespmem:$0x390] =	vst v1;
	v52 =	vld [tilespmem:$0x490];
	vm14 =	vgt.s32 v36, $0x0;
	v33 =	vsel vm1, v62, v0;
	v5 =	vsel vm0, v34, v0  }
0x79: {  	v29 =	vld [tilespmem:$0x510];
	[tilespmem:$0x2B0] =	vst v12;
	vm1 =	vlt.s32 v37, v0;
	v9 =	vsel vm13, v39, v0;
	vm0 =	vlt.s32 v41, v0  }
0x7a: {  	[tilespmem:$0x2C0] =	vst v13;
	v55 =	vld [tilespmem:$0x4B0];
	vm9 =	vlt.s32 v10, v0;
	v53 =	vnsel vm8, $0x0, v46;
	v31 =	vnsel vm6, $0x0, v60  }
0x7b: {  	[tilespmem:$0x2E0] =	vst v15;
	v32 =	vld [tilespmem:$0x520];
	v39 =	vnsel vm10, $0x0, v27;
	v40 =	vsel vm1, v37, v0;
	v44 =	vsel vm0, v41, v0  }
0x7c: {  	[tilespmem:$0x420] =	vst v7;
	vm1 =	vlt.s32 v45, v0;
	vm0 =	vlt.s32 v48, v0;
	v10 =	vsel vm9, v10, v0  }
0x7d: {  	[tilespmem:$0x330] =	vst v21;
	v58 =	vld [tilespmem:$0x4C0];
	vm11 =	vgt.s32 v50, $0x0;
	vm12 =	vgt.s32 v52, $0x0;
	v47 =	vsel vm1, v45, v0  }
0x7e: {  	[tilespmem:$0x310] =	vst v18;
	v61 =	vld [tilespmem:$0x4E0];
	v13 =	vsel vm0, v48, v0;
	vm1 =	vlt.s32 v51, v0;
	vm0 =	vlt.s32 v53, v0  }
0x7f: {  	[tilespmem:$0x320] =	vst v16;
	v14 =	vnsel vm11, $0x0, v50;
	v59 =	vnsel vm12, $0x0, v52;
	vm15 =	vgt.s32 v55, $0x0  }
0x80: {  	[tilespmem:$0x340] =	vst v25;
	vm11 =	vgt.s32 v29, $0x0;
	vm12 =	vgt.s32 v32, $0x0;
	v15 =	vsel vm1, v51, v0  }
0x81: {  	[tilespmem:$0x3C0] =	vst v3;
	v56 =	vsel vm0, v53, v0;
	vm1 =	vlt.s32 v57, v0;
	vm13 =	vlt.s32 v14, v0  }
0x82: {  	[tilespmem:$0x350] =	vst v24;
	v54 =	vld [tilespmem:$0x5B0];
	vm0 =	vlt.s32 v59, v0;
	v18 =	vnsel vm15, $0x0, v55;
	vm4 =	vgt.s32 v58, $0x0  }
0x83: {  	v62 =	vld [tilespmem:$0x4F0];
	[tilespmem:$0x3B0] =	vst v33;
	vm7 =	vgt.s32 v61, $0x0;
	v41 =	vnsel vm11, $0x0, v29;
	v43 =	vnsel vm12, $0x0, v32  }
0x84: {  	v37 =	vld [tilespmem:$0x540];
	[tilespmem:$0x410] =	vst v47;
	v47 =	vnsel vm14, $0x0, v36;
	v17 =	vsel vm1, v57, v0;
	v14 =	vsel vm13, v14, v0  }
0x85: {  	[tilespmem:$0x3E0] =	vst v40;
	v40 =	vld [tilespmem:$0x550];
	v21 =	vsel vm0, v59, v0;
	vm1 =	vlt.s32 v19, v0;
	vm5 =	vlt.s32 v18, v0  }
0x86: {  	[tilespmem:$0x400] =	vst v44;
	v44 =	vld [tilespmem:$0x560];
	v26 =	vnsel vm4, $0x0, v58;
	v33 =	vnsel vm7, $0x0, v61;
	vm13 =	vlt.s32 v41, v0  }
0x87: {  	[tilespmem:$0x370] =	vst v20;
	v45 =	vld [tilespmem:$0x570];
	vm12 =	vgt.s32 v54, $0x0;
	v63 =	vsel vm1, v19, v0;
	v28 =	vsel vm5, v18, v0  }
0x88: {  	[tilespmem:$0x3F0] =	vst v9;
	v48 =	vld [tilespmem:$0x580];
	vm0 =	vlt.s32 v26, v0;
	vm1 =	vlt.s32 v31, v0;
	vm8 =	vgt.s32 v62, $0x0  }
0x89: {  	v52 =	vld [tilespmem:$0x5A0];
	vm9 =	vlt.s32 v33, v0;
	v9 =	vsel vm13, v41, v0;
	[tilespmem:$0x490] =	vst v21;
	v21 =	vnsel vm12, $0x0, v54  }
0x8a: {  	[tilespmem:$0x360] =	vst v22;
	v30 =	vsel vm0, v26, v0;
	v34 =	vsel vm1, v31, v0;
	v35 =	vnsel vm8, $0x0, v62  }
0x8b: {  	v23 =	vld [tilespmem:$0x600];
	[tilespmem:$0x380] =	vst v2;
	v4 =	vsel vm9, v33, v0;
	vm1 =	vlt.s32 v39, v0;
	vm15 =	vgt.s32 v37, $0x0  }
0x8c: {  	[tilespmem:$0x3A0] =	vst v6;
	v51 =	vld [tilespmem:$0x590];
	vm0 =	vlt.s32 v35, v0;
	v42 =	vsel vm1, v39, v0;
	vm1 =	vlt.s32 v47, v0  }
0x8d: {  	v22 =	vld [tilespmem:$0x5F0];
	[tilespmem:$0x3D0] =	vst v5;
	v5 =	vnsel vm15, $0x0, v37;
	vm4 =	vgt.s32 v40, $0x0;
	vm6 =	vgt.s32 v44, $0x0  }
0x8e: {  	[tilespmem:$0x450] =	vst v10;
	vm7 =	vgt.s32 v45, $0x0;
	vm8 =	vgt.s32 v48, $0x0;
	vm11 =	vgt.s32 v52, $0x0  }
0x8f: {  	[tilespmem:$0x430] =	vst v13;
	v57 =	vld [tilespmem:$0x5C0];
	v38 =	vsel vm0, v35, v0;
	vm0 =	vlt.s32 v43, v0;
	v49 =	vsel vm1, v47, v0  }
0x90: {  	[tilespmem:$0x440] =	vst v15;
	v58 =	vld [tilespmem:$0x5D0];
	vm5 =	vlt.s32 v5, v0;
	v50 =	vnsel vm4, $0x0, v40;
	v53 =	vnsel vm6, $0x0, v44  }
0x91: {  	[tilespmem:$0x460] =	vst v56;
	v61 =	vld [tilespmem:$0x5E0];
	v12 =	vnsel vm7, $0x0, v45;
	v56 =	vnsel vm8, $0x0, v48;
	vm10 =	vgt.s32 v51, $0x0  }
0x92: {  	v29 =	vld [tilespmem:$0x620];
	[tilespmem:$0x470] =	vst v17;
	v62 =	vnsel vm11, $0x0, v52;
	vm6 =	vgt.s32 v22, $0x0;
	vm7 =	vgt.s32 v23, $0x0  }
0x93: {  	[tilespmem:$0x480] =	vst v14;
	v46 =	vsel vm0, v43, v0;
	v5 =	vsel vm5, v5, v0;
	vm0 =	vlt.s32 v50, v0  }
0x94: {  	[tilespmem:$0x4A0] =	vst v63;
	vm1 =	vlt.s32 v53, v0;
	vm9 =	vlt.s32 v12, v0;
	v60 =	vnsel vm10, $0x0, v51  }
0x95: {  	[tilespmem:$0x4B0] =	vst v28;
	vm13 =	vlt.s32 v62, v0;
	vm14 =	vgt.s32 v57, $0x0;
	vm15 =	vgt.s32 v58, $0x0  }
0x96: {  	v36 =	vld [tilespmem:$0x650];
	[tilespmem:$0x510] =	vst v9;
	vm4 =	vgt.s32 v61, $0x0;
	v32 =	vnsel vm6, $0x0, v22;
	v3 =	vnsel vm7, $0x0, v23  }
0x97: {  	v26 =	vld [tilespmem:$0x610];
	[tilespmem:$0x4C0] =	vst v30;
	vm10 =	vgt.s32 v29, $0x0;
	v15 =	vsel vm0, v50, v0;
	v55 =	vsel vm1, v53, v0  }
0x98: {  	v33 =	vld [tilespmem:$0x640];
	[tilespmem:$0x4D0] =	vst v34;
	v12 =	vsel vm9, v12, v0;
	vm0 =	vlt.s32 v56, v0;
	vm1 =	vlt.s32 v60, v0  }
0x99: {  	[tilespmem:$0x4E0] =	vst v4;
	v1 =	vsel vm13, v62, v0;
	v25 =	vnsel vm14, $0x0, v57;
	v27 =	vnsel vm15, $0x0, v58  }
0x9a: {  	v30 =	vld [tilespmem:$0x630];
	[tilespmem:$0x4F0] =	vst v38;
	v28 =	vnsel vm4, $0x0, v61;
	vm9 =	vlt.s32 v3, v0;
	v38 =	vnsel vm10, $0x0, v29  }
0x9b: {  	v37 =	vld [tilespmem:$0x660];
	[tilespmem:$0x500] =	vst v42;
	vm14 =	vgt.s32 v36, $0x0;
	v59 =	vsel vm0, v56, v0;
	v63 =	vsel vm1, v60, v0  }
0x9c: {  	v39 =	vld [tilespmem:$0x670];
	[tilespmem:$0x530] =	vst v49;
	vm0 =	vlt.s32 v21, v0;
	vm1 =	vlt.s32 v25, v0;
	vm5 =	vlt.s32 v27, v0  }
0x9d: {  	v42 =	vld [tilespmem:$0x680];
	[tilespmem:$0x520] =	vst v46;
	vm8 =	vgt.s32 v26, $0x0;
	v3 =	vsel vm9, v3, v0;
	vm12 =	vgt.s32 v33, $0x0  }
0x9e: {  	v44 =	vld [tilespmem:$0x690];
	[tilespmem:$0x540] =	vst v5;
	v46 =	vnsel vm14, $0x0, v36;
	v24 =	vsel vm0, v21, v0;
	v10 =	vsel vm1, v25, v0  }
0x9f: {  	v47 =	vld [tilespmem:$0x6A0];
	[tilespmem:$0x550] =	vst v15;
	v8 =	vsel vm5, v27, v0;
	vm0 =	vlt.s32 v28, v0;
	vm1 =	vlt.s32 v32, v0  }
0xa0: {  	v52 =	vld [tilespmem:$0x6C0];
	[tilespmem:$0x560] =	vst v55;
	v35 =	vnsel vm8, $0x0, v26;
	vm11 =	vgt.s32 v30, $0x0;
	v41 =	vnsel vm12, $0x0, v33  }
0xa1: {  	v18 =	vld [tilespmem:$0x710];
	[tilespmem:$0x570] =	vst v12;
	vm15 =	vgt.s32 v37, $0x0;
	vm4 =	vgt.s32 v39, $0x0;
	v31 =	vsel vm0, v28, v0  }
0xa2: {  	v19 =	vld [tilespmem:$0x720];
	[tilespmem:$0x5A0] =	vst v1;
	v34 =	vsel vm1, v32, v0;
	vm0 =	vlt.s32 v35, v0;
	vm1 =	vlt.s32 v38, v0  }
0xa3: {  	v51 =	vld [tilespmem:$0x6B0];
	[tilespmem:$0x580] =	vst v59;
	v9 =	vnsel vm11, $0x0, v30;
	v48 =	vnsel vm15, $0x0, v37;
	v50 =	vnsel vm4, $0x0, v39  }
0xa4: {  	v22 =	vld [tilespmem:$0x730];
	[tilespmem:$0x590] =	vst v63;
	vm6 =	vgt.s32 v42, $0x0;
	vm7 =	vgt.s32 v44, $0x0;
	vm8 =	vgt.s32 v47, $0x0  }
0xa5: {  	[tilespmem:$0x600] =	vst v3;
	vm11 =	vgt.s32 v52, $0x0;
	v11 =	vsel vm0, v35, v0;
	v40 =	vsel vm1, v38, v0  }
0xa6: {  	[tilespmem:$0x5B0] =	vst v24;
	vm13 =	vlt.s32 v9, v0;
	vm0 =	vlt.s32 v41, v0;
	vm1 =	vlt.s32 v46, v0  }
0xa7: {  	[tilespmem:$0x5C0] =	vst v10;
	vm5 =	vlt.s32 v48, v0;
	v54 =	vnsel vm6, $0x0, v42;
	v56 =	vnsel vm7, $0x0, v44  }
0xa8: {  	[tilespmem:$0x5D0] =	vst v8;
	v58 =	vnsel vm8, $0x0, v47;
	vm10 =	vgt.s32 v51, $0x0;
	v15 =	vnsel vm11, $0x0, v52  }
0xa9: {  	v55 =	vld [tilespmem:$0x6D0];
	[tilespmem:$0x5E0] =	vst v31;
	vm6 =	vgt.s32 v18, $0x0;
	vm7 =	vgt.s32 v19, $0x0;
	vm8 =	vgt.s32 v22, $0x0  }
0xaa: {  	v60 =	vld [tilespmem:$0x6F0];
	[tilespmem:$0x5F0] =	vst v34;
	v43 =	vsel vm13, v9, v0;
	v45 =	vsel vm0, v41, v0;
	v49 =	vsel vm1, v46, v0  }
0xab: {  	v36 =	vld [tilespmem:$0x780];
	v4 =	vsel vm5, v48, v0;
	vm0 =	vlt.s32 v50, v0;
	vm1 =	vlt.s32 v54, v0;
	[tilespmem:$0x610] =	vst v11  }
0xac: {  	v59 =	vld [tilespmem:$0x6E0];
	vm9 =	vlt.s32 v56, v0;
	[tilespmem:$0x620] =	vst v40;
	v62 =	vnsel vm10, $0x0, v51;
	vm13 =	vlt.s32 v15, v0  }
0xad: {  	v63 =	vld [tilespmem:$0x700];
	v30 =	vnsel vm6, $0x0, v18;
	v32 =	vnsel vm7, $0x0, v19;
	v34 =	vnsel vm8, $0x0, v22;
	[tilespmem:$0x630] =	vst v43  }
0xae: {  	v26 =	vld [tilespmem:$0x740];
	v53 =	vsel vm0, v50, v0;
	v57 =	vsel vm1, v54, v0;
	v5 =	vsel vm9, v56, v0;
	[tilespmem:$0x640] =	vst v45  }
0xaf: {  	vm0 =	vlt.s32 v58, v0;
	vm1 =	vlt.s32 v62, v0;
	vm12 =	vgt.s32 v55, $0x0;
	[tilespmem:$0x650] =	vst v49  }
0xb0: {  	v28 =	vld [tilespmem:$0x750];
	v6 =	vsel vm13, v15, v0;
	[tilespmem:$0x660] =	vst v4;
	vm15 =	vgt.s32 v60, $0x0;
	vm9 =	vlt.s32 v32, v0  }
0xb1: {  	v39 =	vld [tilespmem:$0x790];
	v61 =	vsel vm0, v58, v0;
	v16 =	vsel vm1, v62, v0;
	v17 =	vnsel vm12, $0x0, v55;
	[tilespmem:$0x670] =	vst v53  }
0xb2: {  	v31 =	vld [tilespmem:$0x760];
	vm14 =	vgt.s32 v59, $0x0;
	v23 =	vnsel vm15, $0x0, v60;
	vm4 =	vgt.s32 v63, $0x0;
	[tilespmem:$0x680] =	vst v57  }
0xb3: {  	v35 =	vld [tilespmem:$0x770];
	[tilespmem:$0x690] =	vst v5;
	v1 =	vsel vm9, v32, v0;
	vm10 =	vgt.s32 v26, $0x0;
	vm15 =	vgt.s32 v36, $0x0  }
0xb4: {  	v44 =	vld [tilespmem:$0x7B0];
	[tilespmem:$0x6C0] =	vst v6;
	vm0 =	vlt.s32 v17, v0;
	v21 =	vnsel vm14, $0x0, v59;
	vm5 =	vlt.s32 v23, v0  }
0xb5: {  	v47 =	vld [tilespmem:$0x7C0];
	v25 =	vnsel vm4, $0x0, v63;
	[tilespmem:$0x6A0] =	vst v61;
	v38 =	vnsel vm10, $0x0, v26;
	vm11 =	vgt.s32 v28, $0x0  }
0xb6: {  	[tilespmem:$0x6B0] =	vst v16;
	v48 =	vnsel vm15, $0x0, v36;
	vm4 =	vgt.s32 v39, $0x0;
	v20 =	vsel vm0, v17, v0  }
0xb7: {  	[tilespmem:$0x720] =	vst v1;
	vm1 =	vlt.s32 v21, v0;
	v27 =	vsel vm5, v23, v0;
	vm0 =	vlt.s32 v25, v0  }
0xb8: {  	v40 =	vnsel vm11, $0x0, v28;
	vm12 =	vgt.s32 v31, $0x0;
	vm14 =	vgt.s32 v35, $0x0;
	[tilespmem:$0x6D0] =	vst v20  }
0xb9: {  	vm5 =	vlt.s32 v48, v0;
	v50 =	vnsel vm4, $0x0, v39;
	v24 =	vsel vm1, v21, v0;
	[tilespmem:$0x6F0] =	vst v27  }
0xba: {  	v51 =	vld [tilespmem:$0x7D0];
	vm7 =	vgt.s32 v44, $0x0;
	vm8 =	vgt.s32 v47, $0x0;
	v29 =	vsel vm0, v25, v0;
	[tilespmem:$0x6E0] =	vst v24  }
0xbb: {  	v52 =	vld [tilespmem:$0x7E0];
	vm1 =	vlt.s32 v30, v0;
	vm0 =	vlt.s32 v34, v0;
	v3 =	vsel vm5, v48, v0;
	[tilespmem:$0x700] =	vst v29  }
0xbc: {  	v43 =	vld [tilespmem:$0x7A0];
	vm13 =	vlt.s32 v40, v0;
	v42 =	vnsel vm12, $0x0, v31;
	v33 =	vsel vm1, v30, v0;
	[tilespmem:$0x780] =	vst v3  }
0xbd: {  	v46 =	vnsel vm14, $0x0, v35;
	v56 =	vnsel vm7, $0x0, v44;
	v37 =	vsel vm0, v34, v0;
	[tilespmem:$0x710] =	vst v33  }
0xbe: {  	v58 =	vnsel vm8, $0x0, v47;
	vm1 =	vlt.s32 v38, v0;
	v5 =	vsel vm13, v40, v0;
	[tilespmem:$0x730] =	vst v37  }
0xbf: {  	vm11 =	vgt.s32 v51, $0x0;
	vm0 =	vlt.s32 v42, v0;
	v41 =	vsel vm1, v38, v0;
	[tilespmem:$0x750] =	vst v5  }
0xc0: {  	v55 =	vld [tilespmem:$0x7F0];
	vm12 =	vgt.s32 v52, $0x0;
	vm9 =	vlt.s32 v56, v0;
	v45 =	vsel vm0, v42, v0;
	[tilespmem:$0x740] =	vst v41  }
0xc1: {  	vm6 =	vgt.s32 v43, $0x0;
	vm10 =	vlt.s32 v58, v0;
	v59 =	vsel vm9, v56, v0;
	[tilespmem:$0x760] =	vst v45  }
0xc2: {  	v61 =	vnsel vm11, $0x0, v51;
	vm1 =	vlt.s32 v46, v0;
	v60 =	vsel vm10, v58, v0;
	[tilespmem:$0x7B0] =	vst v59  }
0xc3: {  	v62 =	vnsel vm12, $0x0, v52;
	vm0 =	vlt.s32 v50, v0;
	v49 =	vsel vm1, v46, v0;
	[tilespmem:$0x7C0] =	vst v60  }
0xc4: {  	v54 =	vnsel vm6, $0x0, v43;
	vm14 =	vlt.s32 v62, v0;
	v53 =	vsel vm0, v50, v0;
	[tilespmem:$0x770] =	vst v49  }
0xc5: {  	vm13 =	vgt.s32 v55, $0x0;
	vm1 =	vlt.s32 v54, v0;
	v1 =	vsel vm14, v62, v0;
	[tilespmem:$0x790] =	vst v53  }
0xc6: {  	v63 =	vnsel vm13, $0x0, v55;
	v57 =	vsel vm1, v54, v0;
	vm1 =	vlt.s32 v61, v0;
	[tilespmem:$0x7E0] =	vst v1  }
0xc7: {  	vm15 =	vlt.s32 v63, v0;
	[tilespmem:$0x7A0] =	vst v57;
	v3 =	vsel vm1, v61, v0  }
0xc8: {  	v0 =	vsel vm15, v63, v0;
	[tilespmem:$0x7D0] =	vst v3  }
0xc9: {  	s2 =	sadd.s32 s2, s4;
	[tilespmem:$0x7F0] =	vst v0  }
0xca: {  	[hbm4b:s2+s3] =	stream.linear.scatter [tilespmem:s3], [sflag:$0x2], $0x800, $0x38;
	[tilespmem:$0x880] =	vst v63  }
0xcb: {  	_ =	swait.ge [sflag:s30], $0x800  }
0xcc: {  	[sflag:s30] =	ssyncset.done $0x0  }
0xcd: {  	[sflag:s30] =	ssyncadd.s32 $0xFFFFF800  }
0xce: {  	_ =	sfence.sel $0x180000  }
0xcf: {  	[bflag:$0x0] =	sbarrier.arrive $0xFFFF  }
0xd0: {  	p0 =	sne.s32 s1, $0x0;
	_ =	strace $0x90000047  }
0xd1: {  	s0 =	sadd.s32 @!p0 $0x100000, s0;
	[bflag:$0x2] =	sbarrier.arrive $0xFFFF  }
0xd2: {  	[sflag:s0] =	ssyncadd.tile.s32 @!p0 $0x1;
	_ =	shalt  }
.Lfunc_end2:
_tile_overlayer_lowered:
.L_overlay_start_2:
0xd3: {  	(tag) =	ssettag $0x2  }
0xd4: {  	s0 =	rddreg [dreg:$0x0];
	s2 =	stileid.u32  }
0xd5: {  	s1 =	rddreg [dreg:$0x1];
	p0 =	sne.s32 s2, $0x0  }
0xd6: {  	s3 =	rddreg [dreg:$0x2];
	[bflag:$0x3] =	sbarrier.arrive $0xFFFF;
	s2 =	simm.s32 @!p0 $0x1C02  }
0xd7: {  	[timem:s3], [sflag:s2] =	dma.local @!p0 [hbm:s0], s1  }
0xd8: {  	s0 =	simm.s32 @!p0 $0x2  }
0xd9: {  	_ =	swait.ge @!p0 [sflag:s0], s1  }
0xda: {  	s1 =	ssub.s32 @!p0 $0x0, s1;
	[sflag:s0] =	ssyncset.done @!p0 $0x0  }
0xdb: {  	[sflag:s0] =	ssyncadd.s32 @!p0 s1  }
0xdc: {  	[bflag:$0x3] =	sbarrier.arrive $0xFFFF  }
0xdd: {  	_ =	shalt  }

</sc_bundles>
